<compile_context>
chip_gen: v7x
topology: tpu7x:2x2x1
jax: 0.10.2.dev20260603
libtpu: 0.0.44.dev20260713+nightly
codegen_flags: <defaults>
</compile_context>

<pallas_src>
import jax
import jax.numpy as jnp
from jax import lax
from jax.experimental import pallas as pl
from jax.experimental.pallas import tpu as pltpu
from jax.experimental.pallas import tpu_sc as plsc

_B, _R, _D_IN, _D_OUT = 4096, 200, 128, 64
_SPLIT = 3072
_NC, _NS = 2, 16
_NW = _NC * _NS
_SC_B = _B - _SPLIT
_BPW = _SC_B // _NW
_NG = _D_OUT // 16
_BM = 32


def _sc_body(x_hbm, idx_hbm, out_hbm, idx_v, in_bufs, out_bufs, in_sems, out_sems):
    wid = lax.axis_index("s") * _NC + lax.axis_index("c")
    base = _SPLIT + wid * _BPW
    obase = wid * _BPW
    pltpu.sync_copy(idx_hbm, idx_v)
    idxv = [idx_v[pl.ds(16 * k, 16)] for k in range(_NG)]

    def compute(in_buf, out_buf):
        @plsc.parallel_loop(0, _R, unroll=8)
        def _(r):
            row = jnp.full((16,), r, jnp.int32)
            for k in range(_NG):
                v = plsc.load_gather(in_buf, [row, idxv[k]])
                out_buf[r, pl.ds(16 * k, 16)] = v

    pltpu.async_copy(x_hbm.at[base], in_bufs[0], in_sems[0])

    def pair_body(i, carry):
        for b in range(2):
            c = 2 * i + b
            nxt = c + 1

            @pl.when(nxt < _BPW)
            def _():
                pltpu.async_copy(x_hbm.at[base + nxt], in_bufs[1 - b], in_sems[1 - b])
            pltpu.make_async_copy(x_hbm.at[base + c], in_bufs[b], in_sems[b]).wait()

            @pl.when(c >= 2)
            def _():
                pltpu.make_async_copy(
                    out_bufs[b], out_hbm.at[obase + c - 2], out_sems[b]).wait()
            compute(in_bufs[b], out_bufs[b])
            pltpu.async_copy(out_bufs[b], out_hbm.at[obase + c], out_sems[b])
        return carry

    lax.fori_loop(0, _BPW // 2, pair_body, 0)
    pltpu.make_async_copy(out_bufs[0], out_hbm.at[obase + _BPW - 2], out_sems[0]).wait()
    pltpu.make_async_copy(out_bufs[1], out_hbm.at[obase + _BPW - 1], out_sems[1]).wait()


def _sc_tail(x, indices):
    sc_call = pl.kernel(
        _sc_body,
        out_type=jax.ShapeDtypeStruct((_SC_B, _R, _D_OUT), jnp.float32),
        mesh=plsc.VectorSubcoreMesh(core_axis_name="c", subcore_axis_name="s"),
        scratch_types=[
            pltpu.VMEM((_D_OUT,), jnp.int32),
            [pltpu.VMEM((_R, _D_IN), jnp.float32) for _ in range(2)],
            [pltpu.VMEM((_R, _D_OUT), jnp.float32) for _ in range(2)],
            [pltpu.SemaphoreType.DMA for _ in range(2)],
            [pltpu.SemaphoreType.DMA for _ in range(2)],
        ],
        compiler_params=pltpu.CompilerParams(needs_layout_passes=False),
    )
    return sc_call(x, indices)


def _tc_body(x_ref, idx_ref, out_ref):
    x = x_ref[...]
    idx = jnp.broadcast_to(idx_ref[...], (_BM, _R, _D_OUT))
    out_ref[...] = jnp.take_along_axis(x, idx, axis=-1)


def _tc_head(x, indices):
    grid = (_SPLIT // _BM,)
    return pl.pallas_call(
        _tc_body,
        grid=grid,
        in_specs=[pl.BlockSpec((_BM, _R, _D_IN), lambda i: (i, 0, 0)),
                  pl.BlockSpec((1, 1, _D_OUT), lambda i: (0, 0, 0))],
        out_specs=pl.BlockSpec((_BM, _R, _D_OUT), lambda i: (i, 0, 0)),
        out_shape=jax.ShapeDtypeStruct((_B, _R, _D_OUT), jnp.float32),
    )(x, indices.reshape(1, 1, _D_OUT))


def kernel(x, indices):
    sc_out = _sc_tail(x, indices)
    tc_out = _tc_head(x, indices)
    return lax.dynamic_update_slice(tc_out, sc_out, (_SPLIT, 0, 0))

# --- scband reference (transcript-rebuilt; emitter-appended) ---
"""Pipeline reference for scband-select-50268297232758 (READ-ONLY COPY).

The authoritative reference and input builder live on the scoring server;
editing this copy changes nothing except your own understanding.
"""

import jax, jax.numpy as jnp
import numpy as np


def setup_inputs(seed: int = 0) -> dict:
    key = jax.random.key(seed)
    x = jax.random.normal(key, (4096, 200, 128), dtype=jnp.float32)
    # buffer registered at __init__: self.indices = torch.tensor(indices)
    indices = jnp.array(list(range(0, 128, 2)), dtype=jnp.int32)
    return {"x": x, "indices": indices}


def reference(x, indices):
    # torch: x[..., self.indices]  -> gather along last axis
    return jnp.take(x, indices, axis=-1)

if __name__ == "__main__":
    import jax
    _d = setup_inputs()
    print(jax.jit(kernel)(*tuple(_d.values())))

</pallas_src>

<mosaic_0001>
#map = affine_map<(d0, d1) -> (0, 0, 0)>
#map1 = affine_map<(d0, d1) -> (0)>
module attributes {stable_mosaic.version = 14 : i64} {
  func.func @_sc_body(%arg0: i32, %arg1: i32, %arg2: memref<4096x200x128xf32, #tpu.memory_space<hbm>>, %arg3: memref<64xi32, #tpu.memory_space<hbm>>, %arg4: memref<1024x200x64xf32, #tpu.memory_space<hbm>>, %arg5: memref<64xi32, #tpu.memory_space<vmem>>, %arg6: memref<200x128xf32, #tpu.memory_space<vmem>>, %arg7: memref<200x128xf32, #tpu.memory_space<vmem>>, %arg8: memref<200x64xf32, #tpu.memory_space<vmem>>, %arg9: memref<200x64xf32, #tpu.memory_space<vmem>>, %arg10: memref<!tpu.dma_semaphore, #tpu.memory_space<semaphore_mem>>, %arg11: memref<!tpu.dma_semaphore, #tpu.memory_space<semaphore_mem>>, %arg12: memref<!tpu.dma_semaphore, #tpu.memory_space<semaphore_mem>>, %arg13: memref<!tpu.dma_semaphore, #tpu.memory_space<semaphore_mem>>) attributes {dimension_semantics = [#tpu.dimension_semantics<core_parallel>, #tpu.dimension_semantics<subcore_parallel>], iteration_bounds = array<i64: 2, 16>, scalar_prefetch = 0 : i64, scratch_operands = 9 : i64, tpu.core_type = #tpu.core_type<sc_vector_subcore>, window_params = [{transform_indices = #map}, {transform_indices = #map1}, {transform_indices = #map}]} {
    %mul3A = arith.constant 2 : i32
    %mul3A_0 = arith.muli %arg1, %mul3A : i32
    %add3A = arith.addi %mul3A_0, %arg0 : i32
    %mul3A_1 = arith.constant 32 : i32
    %mul3A_2 = arith.muli %add3A, %mul3A_1 : i32
    %add3A_3 = arith.constant 3072 : i32
    %add3A_4 = arith.addi %add3A_3, %mul3A_2 : i32
    %mul3A_5 = arith.constant 32 : i32
    %mul3A_6 = arith.muli %add3A, %mul3A_5 : i32
    "tpu.region"() ({
      %run_scoped3A = tpu.sem_alloc : memref<!tpu.dma_semaphore, #tpu.memory_space<semaphore_mem>>
      tpu.enqueue_dma source(%arg3 : memref<64xi32, #tpu.memory_space<hbm>>) target(%arg5 : memref<64xi32, #tpu.memory_space<vmem>>) target_semaphore(%run_scoped3A : memref<!tpu.dma_semaphore, #tpu.memory_space<semaphore_mem>>)
      tpu.wait_dma2 semaphore(%run_scoped3A : memref<!tpu.dma_semaphore, #tpu.memory_space<semaphore_mem>>) src(%arg3 : memref<64xi32, #tpu.memory_space<hbm>>) dst(%arg5 : memref<64xi32, #tpu.memory_space<vmem>>)
      tpu.yield
    }) : () -> ()
    %get3A = arith.constant 0 : index
    %get3A_7 = tpu.vector_load %arg5[%get3A] {strides = array<i32>} : memref<64xi32, #tpu.memory_space<vmem>>, vector<16xi32>,
    %get3A_8 = arith.constant 16 : index
    %get3A_9 = tpu.vector_load %arg5[%get3A_8] {strides = array<i32>} : memref<64xi32, #tpu.memory_space<vmem>>, vector<16xi32>,
    %get3A_10 = arith.constant 32 : index
    %get3A_11 = tpu.vector_load %arg5[%get3A_10] {strides = array<i32>} : memref<64xi32, #tpu.memory_space<vmem>>, vector<16xi32>,
    %get3A_12 = arith.constant 48 : index
    %get3A_13 = tpu.vector_load %arg5[%get3A_12] {strides = array<i32>} : memref<64xi32, #tpu.memory_space<vmem>>, vector<16xi32>,
    %dma_start3A = arith.constant 0 : i32
    %dma_start3A_14 = arith.constant 0 : i32
    %dma_start3A_15 = tpu.memref_slice %arg2[%add3A_4, %dma_start3A, %dma_start3A_14] : memref<4096x200x128xf32, #tpu.memory_space<hbm>> -> memref<1x200x128xf32, #tpu.memory_space<hbm>>
    %dma_start3A_16 = tpu.memref_squeeze %dma_start3A_15 : memref<1x200x128xf32, #tpu.memory_space<hbm>> -> memref<200x128xf32, #tpu.memory_space<hbm>>
    %dma_start3A_17 = arith.constant 0 : i32
    %dma_start3A_18 = arith.constant 0 : i32
    %dma_start3A_19 = tpu.memref_slice %arg2[%add3A_4, %dma_start3A_17, %dma_start3A_18] : memref<4096x200x128xf32, #tpu.memory_space<hbm>> -> memref<1x200x128xf32, #tpu.memory_space<hbm>>
    %dma_start3A_20 = tpu.memref_squeeze %dma_start3A_19 : memref<1x200x128xf32, #tpu.memory_space<hbm>> -> memref<200x128xf32, #tpu.memory_space<hbm>>
    tpu.enqueue_dma source(%dma_start3A_20 : memref<200x128xf32, #tpu.memory_space<hbm>>) target(%arg6 : memref<200x128xf32, #tpu.memory_space<vmem>>) target_semaphore(%arg10 : memref<!tpu.dma_semaphore, #tpu.memory_space<semaphore_mem>>)
    %scan3A = arith.constant 0 : i32
    %scan3A_21 = arith.constant 0 : i32
    %scan3A_22 = arith.constant 16 : i32
    %scan3A_23 = arith.addi %scan3A_21, %scan3A_22 : i32
    %scan3A_24 = arith.constant 1 : i32
    scf.for %scan3A_48 = %scan3A_21 to %scan3A_23 step %scan3A_24  : i32 {
      %mul3A_49 = arith.constant 2 : i32
      %mul3A_50 = arith.muli %mul3A_49, %scan3A_48 : i32
      %add3A_51 = arith.constant 0 : i32
      %add3A_52 = arith.addi %mul3A_50, %add3A_51 : i32
      %add3A_53 = arith.constant 1 : i32
      %add3A_54 = arith.addi %add3A_52, %add3A_53 : i32
      %lt3A = arith.constant 32 : i32
      %lt3A_55 = arith.cmpi slt, %add3A_54, %lt3A : i32
      %convert_element_type3A = arith.extui %lt3A_55 : i1 to i32
      %cond3A = arith.constant 0 : i32
      %cond3A_56 = arith.cmpi ne, %convert_element_type3A, %cond3A : i32
      scf.if %cond3A_56 {
        %add3A_118 = arith.addi %add3A_4, %add3A_54 : i32
        %dma_start3A_119 = arith.constant 0 : i32
        %dma_start3A_120 = arith.constant 0 : i32
        %dma_start3A_121 = tpu.memref_slice %arg2[%add3A_118, %dma_start3A_119, %dma_start3A_120] : memref<4096x200x128xf32, #tpu.memory_space<hbm>> -> memref<1x200x128xf32, #tpu.memory_space<hbm>>
        %dma_start3A_122 = tpu.memref_squeeze %dma_start3A_121 : memref<1x200x128xf32, #tpu.memory_space<hbm>> -> memref<200x128xf32, #tpu.memory_space<hbm>>
        %dma_start3A_123 = arith.constant 0 : i32
        %dma_start3A_124 = arith.constant 0 : i32
        %dma_start3A_125 = tpu.memref_slice %arg2[%add3A_118, %dma_start3A_123, %dma_start3A_124] : memref<4096x200x128xf32, #tpu.memory_space<hbm>> -> memref<1x200x128xf32, #tpu.memory_space<hbm>>
        %dma_start3A_126 = tpu.memref_squeeze %dma_start3A_125 : memref<1x200x128xf32, #tpu.memory_space<hbm>> -> memref<200x128xf32, #tpu.memory_space<hbm>>
        tpu.enqueue_dma source(%dma_start3A_126 : memref<200x128xf32, #tpu.memory_space<hbm>>) target(%arg7 : memref<200x128xf32, #tpu.memory_space<vmem>>) target_semaphore(%arg11 : memref<!tpu.dma_semaphore, #tpu.memory_space<semaphore_mem>>)
      } else {
      }
      %add3A_57 = arith.addi %add3A_4, %add3A_52 : i32
      %dma_wait3A_58 = arith.constant 0 : i32
      %dma_wait3A_59 = arith.constant 0 : i32
      %dma_wait3A_60 = tpu.memref_slice %arg2[%add3A_57, %dma_wait3A_58, %dma_wait3A_59] : memref<4096x200x128xf32, #tpu.memory_space<hbm>> -> memref<1x200x128xf32, #tpu.memory_space<hbm>>
      %dma_wait3A_61 = tpu.memref_squeeze %dma_wait3A_60 : memref<1x200x128xf32, #tpu.memory_space<hbm>> -> memref<200x128xf32, #tpu.memory_space<hbm>>
      %dma_wait3A_62 = arith.constant 0 : i32
      %dma_wait3A_63 = arith.constant 0 : i32
      %dma_wait3A_64 = tpu.memref_slice %arg2[%add3A_57, %dma_wait3A_62, %dma_wait3A_63] : memref<4096x200x128xf32, #tpu.memory_space<hbm>> -> memref<1x200x128xf32, #tpu.memory_space<hbm>>
      %dma_wait3A_65 = tpu.memref_squeeze %dma_wait3A_64 : memref<1x200x128xf32, #tpu.memory_space<hbm>> -> memref<200x128xf32, #tpu.memory_space<hbm>>
      tpu.wait_dma2 semaphore(%arg10 : memref<!tpu.dma_semaphore, #tpu.memory_space<semaphore_mem>>) src(%dma_wait3A_65 : memref<200x128xf32, #tpu.memory_space<hbm>>) dst(%arg6 : memref<200x128xf32, #tpu.memory_space<vmem>>)
      %ge3A = arith.constant 2 : i32
      %ge3A_66 = arith.cmpi sge, %add3A_52, %ge3A : i32
      %convert_element_type3A_67 = arith.extui %ge3A_66 : i1 to i32
      %cond3A_68 = arith.constant 0 : i32
      %cond3A_69 = arith.cmpi ne, %convert_element_type3A_67, %cond3A_68 : i32
      scf.if %cond3A_69 {
        %add3A_118 = arith.addi %mul3A_6, %add3A_52 : i32
        %sub3A_119 = arith.constant 2 : i32
        %sub3A_120 = arith.subi %add3A_118, %sub3A_119 : i32
        %dma_wait3A_121 = arith.constant 0 : i32
        %dma_wait3A_122 = arith.constant 0 : i32
        %dma_wait3A_123 = tpu.memref_slice %arg4[%sub3A_120, %dma_wait3A_121, %dma_wait3A_122] : memref<1024x200x64xf32, #tpu.memory_space<hbm>> -> memref<1x200x64xf32, #tpu.memory_space<hbm>>
        %dma_wait3A_124 = tpu.memref_squeeze %dma_wait3A_123 : memref<1x200x64xf32, #tpu.memory_space<hbm>> -> memref<200x64xf32, #tpu.memory_space<hbm>>
        %dma_wait3A_125 = arith.constant 0 : i32
        %dma_wait3A_126 = arith.constant 0 : i32
        %dma_wait3A_127 = tpu.memref_slice %arg4[%sub3A_120, %dma_wait3A_125, %dma_wait3A_126] : memref<1024x200x64xf32, #tpu.memory_space<hbm>> -> memref<1x200x64xf32, #tpu.memory_space<hbm>>
        %dma_wait3A_128 = tpu.memref_squeeze %dma_wait3A_127 : memref<1x200x64xf32, #tpu.memory_space<hbm>> -> memref<200x64xf32, #tpu.memory_space<hbm>>
        tpu.wait_dma2 semaphore(%arg12 : memref<!tpu.dma_semaphore, #tpu.memory_space<semaphore_mem>>) src(%arg8 : memref<200x64xf32, #tpu.memory_space<vmem>>) dst(%dma_wait3A_128 : memref<200x64xf32, #tpu.memory_space<hbm>>)
      } else {
      }
      %parallel_loop3A = arith.constant 0 : i32
      %parallel_loop3A_70 = arith.constant 200 : i32
      %parallel_loop3A_71 = arith.constant 1 : i32
      scf.for %parallel_loop3A_118 = %parallel_loop3A to %parallel_loop3A_70 step %parallel_loop3A_71  : i32 {
        %parallel_loop3A_119 = vector.broadcast %parallel_loop3A_118 : i32 to vector<16xi32>
        %parallel_loop3A_120 = tpu.vector_load_idx %arg6[%parallel_loop3A_119, %get3A_7] : memref<200x128xf32, #tpu.memory_space<vmem>>[vector<16xi32>, vector<16xi32>], vector<16xf32>,
        %parallel_loop3A_121 = arith.index_cast %parallel_loop3A_118 : i32 to index
        %parallel_loop3A_122 = arith.constant 0 : index
        %parallel_loop3A_123 = tpu.vector_load %arg8[%parallel_loop3A_121, %parallel_loop3A_122] {strides = array<i32>} : memref<200x64xf32, #tpu.memory_space<vmem>>, vector<16xf32>,
        tpu.vector_store %arg8[%parallel_loop3A_121, %parallel_loop3A_122], %parallel_loop3A_120 {strides = array<i32>} : memref<200x64xf32, #tpu.memory_space<vmem>>, vector<16xf32>,
        %parallel_loop3A_124 = tpu.vector_load_idx %arg6[%parallel_loop3A_119, %get3A_9] : memref<200x128xf32, #tpu.memory_space<vmem>>[vector<16xi32>, vector<16xi32>], vector<16xf32>,
        %parallel_loop3A_125 = arith.index_cast %parallel_loop3A_118 : i32 to index
        %parallel_loop3A_126 = arith.constant 16 : index
        %parallel_loop3A_127 = tpu.vector_load %arg8[%parallel_loop3A_125, %parallel_loop3A_126] {strides = array<i32>} : memref<200x64xf32, #tpu.memory_space<vmem>>, vector<16xf32>,
        tpu.vector_store %arg8[%parallel_loop3A_125, %parallel_loop3A_126], %parallel_loop3A_124 {strides = array<i32>} : memref<200x64xf32, #tpu.memory_space<vmem>>, vector<16xf32>,
        %parallel_loop3A_128 = tpu.vector_load_idx %arg6[%parallel_loop3A_119, %get3A_11] : memref<200x128xf32, #tpu.memory_space<vmem>>[vector<16xi32>, vector<16xi32>], vector<16xf32>,
        %parallel_loop3A_129 = arith.index_cast %parallel_loop3A_118 : i32 to index
        %parallel_loop3A_130 = arith.constant 32 : index
        %parallel_loop3A_131 = tpu.vector_load %arg8[%parallel_loop3A_129, %parallel_loop3A_130] {strides = array<i32>} : memref<200x64xf32, #tpu.memory_space<vmem>>, vector<16xf32>,
        tpu.vector_store %arg8[%parallel_loop3A_129, %parallel_loop3A_130], %parallel_loop3A_128 {strides = array<i32>} : memref<200x64xf32, #tpu.memory_space<vmem>>, vector<16xf32>,
        %parallel_loop3A_132 = tpu.vector_load_idx %arg6[%parallel_loop3A_119, %get3A_13] : memref<200x128xf32, #tpu.memory_space<vmem>>[vector<16xi32>, vector<16xi32>], vector<16xf32>,
        %parallel_loop3A_133 = arith.index_cast %parallel_loop3A_118 : i32 to index
        %parallel_loop3A_134 = arith.constant 48 : index
        %parallel_loop3A_135 = tpu.vector_load %arg8[%parallel_loop3A_133, %parallel_loop3A_134] {strides = array<i32>} : memref<200x64xf32, #tpu.memory_space<vmem>>, vector<16xf32>,
        tpu.vector_store %arg8[%parallel_loop3A_133, %parallel_loop3A_134], %parallel_loop3A_132 {strides = array<i32>} : memref<200x64xf32, #tpu.memory_space<vmem>>, vector<16xf32>,
      } {sc.loop_unroll_factor = 8 : i64, sc.parallel_access}
      %add3A_72 = arith.addi %mul3A_6, %add3A_52 : i32
      %dma_start3A_73 = arith.constant 0 : i32
      %dma_start3A_74 = arith.constant 0 : i32
      %dma_start3A_75 = tpu.memref_slice %arg4[%add3A_72, %dma_start3A_73, %dma_start3A_74] : memref<1024x200x64xf32, #tpu.memory_space<hbm>> -> memref<1x200x64xf32, #tpu.memory_space<hbm>>
      %dma_start3A_76 = tpu.memref_squeeze %dma_start3A_75 : memref<1x200x64xf32, #tpu.memory_space<hbm>> -> memref<200x64xf32, #tpu.memory_space<hbm>>
      %dma_start3A_77 = arith.constant 0 : i32
      %dma_start3A_78 = arith.constant 0 : i32
      %dma_start3A_79 = tpu.memref_slice %arg4[%add3A_72, %dma_start3A_77, %dma_start3A_78] : memref<1024x200x64xf32, #tpu.memory_space<hbm>> -> memref<1x200x64xf32, #tpu.memory_space<hbm>>
      %dma_start3A_80 = tpu.memref_squeeze %dma_start3A_79 : memref<1x200x64xf32, #tpu.memory_space<hbm>> -> memref<200x64xf32, #tpu.memory_space<hbm>>
      tpu.enqueue_dma source(%arg8 : memref<200x64xf32, #tpu.memory_space<vmem>>) target(%dma_start3A_80 : memref<200x64xf32, #tpu.memory_space<hbm>>) target_semaphore(%arg12 : memref<!tpu.dma_semaphore, #tpu.memory_space<semaphore_mem>>)
      %mul3A_81 = arith.constant 2 : i32
      %mul3A_82 = arith.muli %mul3A_81, %scan3A_48 : i32
      %add3A_83 = arith.constant 1 : i32
      %add3A_84 = arith.addi %mul3A_82, %add3A_83 : i32
      %add3A_85 = arith.constant 1 : i32
      %add3A_86 = arith.addi %add3A_84, %add3A_85 : i32
      %lt3A_87 = arith.constant 32 : i32
      %lt3A_88 = arith.cmpi slt, %add3A_86, %lt3A_87 : i32
      %convert_element_type3A_89 = arith.extui %lt3A_88 : i1 to i32
      %cond3A_90 = arith.constant 0 : i32
      %cond3A_91 = arith.cmpi ne, %convert_element_type3A_89, %cond3A_90 : i32
      scf.if %cond3A_91 {
        %add3A_118 = arith.addi %add3A_4, %add3A_86 : i32
        %dma_start3A_119 = arith.constant 0 : i32
        %dma_start3A_120 = arith.constant 0 : i32
        %dma_start3A_121 = tpu.memref_slice %arg2[%add3A_118, %dma_start3A_119, %dma_start3A_120] : memref<4096x200x128xf32, #tpu.memory_space<hbm>> -> memref<1x200x128xf32, #tpu.memory_space<hbm>>
        %dma_start3A_122 = tpu.memref_squeeze %dma_start3A_121 : memref<1x200x128xf32, #tpu.memory_space<hbm>> -> memref<200x128xf32, #tpu.memory_space<hbm>>
        %dma_start3A_123 = arith.constant 0 : i32
        %dma_start3A_124 = arith.constant 0 : i32
        %dma_start3A_125 = tpu.memref_slice %arg2[%add3A_118, %dma_start3A_123, %dma_start3A_124] : memref<4096x200x128xf32, #tpu.memory_space<hbm>> -> memref<1x200x128xf32, #tpu.memory_space<hbm>>
        %dma_start3A_126 = tpu.memref_squeeze %dma_start3A_125 : memref<1x200x128xf32, #tpu.memory_space<hbm>> -> memref<200x128xf32, #tpu.memory_space<hbm>>
        tpu.enqueue_dma source(%dma_start3A_126 : memref<200x128xf32, #tpu.memory_space<hbm>>) target(%arg6 : memref<200x128xf32, #tpu.memory_space<vmem>>) target_semaphore(%arg10 : memref<!tpu.dma_semaphore, #tpu.memory_space<semaphore_mem>>)
      } else {
      }
      %add3A_92 = arith.addi %add3A_4, %add3A_84 : i32
      %dma_wait3A_93 = arith.constant 0 : i32
      %dma_wait3A_94 = arith.constant 0 : i32
      %dma_wait3A_95 = tpu.memref_slice %arg2[%add3A_92, %dma_wait3A_93, %dma_wait3A_94] : memref<4096x200x128xf32, #tpu.memory_space<hbm>> -> memref<1x200x128xf32, #tpu.memory_space<hbm>>
      %dma_wait3A_96 = tpu.memref_squeeze %dma_wait3A_95 : memref<1x200x128xf32, #tpu.memory_space<hbm>> -> memref<200x128xf32, #tpu.memory_space<hbm>>
      %dma_wait3A_97 = arith.constant 0 : i32
      %dma_wait3A_98 = arith.constant 0 : i32
      %dma_wait3A_99 = tpu.memref_slice %arg2[%add3A_92, %dma_wait3A_97, %dma_wait3A_98] : memref<4096x200x128xf32, #tpu.memory_space<hbm>> -> memref<1x200x128xf32, #tpu.memory_space<hbm>>
      %dma_wait3A_100 = tpu.memref_squeeze %dma_wait3A_99 : memref<1x200x128xf32, #tpu.memory_space<hbm>> -> memref<200x128xf32, #tpu.memory_space<hbm>>
      tpu.wait_dma2 semaphore(%arg11 : memref<!tpu.dma_semaphore, #tpu.memory_space<semaphore_mem>>) src(%dma_wait3A_100 : memref<200x128xf32, #tpu.memory_space<hbm>>) dst(%arg7 : memref<200x128xf32, #tpu.memory_space<vmem>>)
      %ge3A_101 = arith.constant 2 : i32
      %ge3A_102 = arith.cmpi sge, %add3A_84, %ge3A_101 : i32
      %convert_element_type3A_103 = arith.extui %ge3A_102 : i1 to i32
      %cond3A_104 = arith.constant 0 : i32
      %cond3A_105 = arith.cmpi ne, %convert_element_type3A_103, %cond3A_104 : i32
      scf.if %cond3A_105 {
        %add3A_118 = arith.addi %mul3A_6, %add3A_84 : i32
        %sub3A_119 = arith.constant 2 : i32
        %sub3A_120 = arith.subi %add3A_118, %sub3A_119 : i32
        %dma_wait3A_121 = arith.constant 0 : i32
        %dma_wait3A_122 = arith.constant 0 : i32
        %dma_wait3A_123 = tpu.memref_slice %arg4[%sub3A_120, %dma_wait3A_121, %dma_wait3A_122] : memref<1024x200x64xf32, #tpu.memory_space<hbm>> -> memref<1x200x64xf32, #tpu.memory_space<hbm>>
        %dma_wait3A_124 = tpu.memref_squeeze %dma_wait3A_123 : memref<1x200x64xf32, #tpu.memory_space<hbm>> -> memref<200x64xf32, #tpu.memory_space<hbm>>
        %dma_wait3A_125 = arith.constant 0 : i32
        %dma_wait3A_126 = arith.constant 0 : i32
        %dma_wait3A_127 = tpu.memref_slice %arg4[%sub3A_120, %dma_wait3A_125, %dma_wait3A_126] : memref<1024x200x64xf32, #tpu.memory_space<hbm>> -> memref<1x200x64xf32, #tpu.memory_space<hbm>>
        %dma_wait3A_128 = tpu.memref_squeeze %dma_wait3A_127 : memref<1x200x64xf32, #tpu.memory_space<hbm>> -> memref<200x64xf32, #tpu.memory_space<hbm>>
        tpu.wait_dma2 semaphore(%arg13 : memref<!tpu.dma_semaphore, #tpu.memory_space<semaphore_mem>>) src(%arg9 : memref<200x64xf32, #tpu.memory_space<vmem>>) dst(%dma_wait3A_128 : memref<200x64xf32, #tpu.memory_space<hbm>>)
      } else {
      }
      %parallel_loop3A_106 = arith.constant 0 : i32
      %parallel_loop3A_107 = arith.constant 200 : i32
      %parallel_loop3A_108 = arith.constant 1 : i32
      scf.for %parallel_loop3A_118 = %parallel_loop3A_106 to %parallel_loop3A_107 step %parallel_loop3A_108  : i32 {
        %parallel_loop3A_119 = vector.broadcast %parallel_loop3A_118 : i32 to vector<16xi32>
        %parallel_loop3A_120 = tpu.vector_load_idx %arg7[%parallel_loop3A_119, %get3A_7] : memref<200x128xf32, #tpu.memory_space<vmem>>[vector<16xi32>, vector<16xi32>], vector<16xf32>,
        %parallel_loop3A_121 = arith.index_cast %parallel_loop3A_118 : i32 to index
        %parallel_loop3A_122 = arith.constant 0 : index
        %parallel_loop3A_123 = tpu.vector_load %arg9[%parallel_loop3A_121, %parallel_loop3A_122] {strides = array<i32>} : memref<200x64xf32, #tpu.memory_space<vmem>>, vector<16xf32>,
        tpu.vector_store %arg9[%parallel_loop3A_121, %parallel_loop3A_122], %parallel_loop3A_120 {strides = array<i32>} : memref<200x64xf32, #tpu.memory_space<vmem>>, vector<16xf32>,
        %parallel_loop3A_124 = tpu.vector_load_idx %arg7[%parallel_loop3A_119, %get3A_9] : memref<200x128xf32, #tpu.memory_space<vmem>>[vector<16xi32>, vector<16xi32>], vector<16xf32>,
        %parallel_loop3A_125 = arith.index_cast %parallel_loop3A_118 : i32 to index
        %parallel_loop3A_126 = arith.constant 16 : index
        %parallel_loop3A_127 = tpu.vector_load %arg9[%parallel_loop3A_125, %parallel_loop3A_126] {strides = array<i32>} : memref<200x64xf32, #tpu.memory_space<vmem>>, vector<16xf32>,
        tpu.vector_store %arg9[%parallel_loop3A_125, %parallel_loop3A_126], %parallel_loop3A_124 {strides = array<i32>} : memref<200x64xf32, #tpu.memory_space<vmem>>, vector<16xf32>,
        %parallel_loop3A_128 = tpu.vector_load_idx %arg7[%parallel_loop3A_119, %get3A_11] : memref<200x128xf32, #tpu.memory_space<vmem>>[vector<16xi32>, vector<16xi32>], vector<16xf32>,
        %parallel_loop3A_129 = arith.index_cast %parallel_loop3A_118 : i32 to index
        %parallel_loop3A_130 = arith.constant 32 : index
        %parallel_loop3A_131 = tpu.vector_load %arg9[%parallel_loop3A_129, %parallel_loop3A_130] {strides = array<i32>} : memref<200x64xf32, #tpu.memory_space<vmem>>, vector<16xf32>,
        tpu.vector_store %arg9[%parallel_loop3A_129, %parallel_loop3A_130], %parallel_loop3A_128 {strides = array<i32>} : memref<200x64xf32, #tpu.memory_space<vmem>>, vector<16xf32>,
        %parallel_loop3A_132 = tpu.vector_load_idx %arg7[%parallel_loop3A_119, %get3A_13] : memref<200x128xf32, #tpu.memory_space<vmem>>[vector<16xi32>, vector<16xi32>], vector<16xf32>,
        %parallel_loop3A_133 = arith.index_cast %parallel_loop3A_118 : i32 to index
        %parallel_loop3A_134 = arith.constant 48 : index
        %parallel_loop3A_135 = tpu.vector_load %arg9[%parallel_loop3A_133, %parallel_loop3A_134] {strides = array<i32>} : memref<200x64xf32, #tpu.memory_space<vmem>>, vector<16xf32>,
        tpu.vector_store %arg9[%parallel_loop3A_133, %parallel_loop3A_134], %parallel_loop3A_132 {strides = array<i32>} : memref<200x64xf32, #tpu.memory_space<vmem>>, vector<16xf32>,
      } {sc.loop_unroll_factor = 8 : i64, sc.parallel_access}
      %add3A_109 = arith.addi %mul3A_6, %add3A_84 : i32
      %dma_start3A_110 = arith.constant 0 : i32
      %dma_start3A_111 = arith.constant 0 : i32
      %dma_start3A_112 = tpu.memref_slice %arg4[%add3A_109, %dma_start3A_110, %dma_start3A_111] : memref<1024x200x64xf32, #tpu.memory_space<hbm>> -> memref<1x200x64xf32, #tpu.memory_space<hbm>>
      %dma_start3A_113 = tpu.memref_squeeze %dma_start3A_112 : memref<1x200x64xf32, #tpu.memory_space<hbm>> -> memref<200x64xf32, #tpu.memory_space<hbm>>
      %dma_start3A_114 = arith.constant 0 : i32
      %dma_start3A_115 = arith.constant 0 : i32
      %dma_start3A_116 = tpu.memref_slice %arg4[%add3A_109, %dma_start3A_114, %dma_start3A_115] : memref<1024x200x64xf32, #tpu.memory_space<hbm>> -> memref<1x200x64xf32, #tpu.memory_space<hbm>>
      %dma_start3A_117 = tpu.memref_squeeze %dma_start3A_116 : memref<1x200x64xf32, #tpu.memory_space<hbm>> -> memref<200x64xf32, #tpu.memory_space<hbm>>
      tpu.enqueue_dma source(%arg9 : memref<200x64xf32, #tpu.memory_space<vmem>>) target(%dma_start3A_117 : memref<200x64xf32, #tpu.memory_space<hbm>>) target_semaphore(%arg13 : memref<!tpu.dma_semaphore, #tpu.memory_space<semaphore_mem>>)
    }
    %scan3A_25 = arith.constant 16 : i32
    %add3A_26 = arith.constant 32 : i32
    %add3A_27 = arith.addi %mul3A_6, %add3A_26 : i32
    %sub3A = arith.constant 2 : i32
    %sub3A_28 = arith.subi %add3A_27, %sub3A : i32
    %dma_wait3A = arith.constant 0 : i32
    %dma_wait3A_29 = arith.constant 0 : i32
    %dma_wait3A_30 = tpu.memref_slice %arg4[%sub3A_28, %dma_wait3A, %dma_wait3A_29] : memref<1024x200x64xf32, #tpu.memory_space<hbm>> -> memref<1x200x64xf32, #tpu.memory_space<hbm>>
    %dma_wait3A_31 = tpu.memref_squeeze %dma_wait3A_30 : memref<1x200x64xf32, #tpu.memory_space<hbm>> -> memref<200x64xf32, #tpu.memory_space<hbm>>
    %dma_wait3A_32 = arith.constant 0 : i32
    %dma_wait3A_33 = arith.constant 0 : i32
    %dma_wait3A_34 = tpu.memref_slice %arg4[%sub3A_28, %dma_wait3A_32, %dma_wait3A_33] : memref<1024x200x64xf32, #tpu.memory_space<hbm>> -> memref<1x200x64xf32, #tpu.memory_space<hbm>>
    %dma_wait3A_35 = tpu.memref_squeeze %dma_wait3A_34 : memref<1x200x64xf32, #tpu.memory_space<hbm>> -> memref<200x64xf32, #tpu.memory_space<hbm>>
    tpu.wait_dma2 semaphore(%arg12 : memref<!tpu.dma_semaphore, #tpu.memory_space<semaphore_mem>>) src(%arg8 : memref<200x64xf32, #tpu.memory_space<vmem>>) dst(%dma_wait3A_35 : memref<200x64xf32, #tpu.memory_space<hbm>>)
    %add3A_36 = arith.constant 32 : i32
    %add3A_37 = arith.addi %mul3A_6, %add3A_36 : i32
    %sub3A_38 = arith.constant 1 : i32
    %sub3A_39 = arith.subi %add3A_37, %sub3A_38 : i32
    %dma_wait3A_40 = arith.constant 0 : i32
    %dma_wait3A_41 = arith.constant 0 : i32
    %dma_wait3A_42 = tpu.memref_slice %arg4[%sub3A_39, %dma_wait3A_40, %dma_wait3A_41] : memref<1024x200x64xf32, #tpu.memory_space<hbm>> -> memref<1x200x64xf32, #tpu.memory_space<hbm>>
    %dma_wait3A_43 = tpu.memref_squeeze %dma_wait3A_42 : memref<1x200x64xf32, #tpu.memory_space<hbm>> -> memref<200x64xf32, #tpu.memory_space<hbm>>
    %dma_wait3A_44 = arith.constant 0 : i32
    %dma_wait3A_45 = arith.constant 0 : i32
    %dma_wait3A_46 = tpu.memref_slice %arg4[%sub3A_39, %dma_wait3A_44, %dma_wait3A_45] : memref<1024x200x64xf32, #tpu.memory_space<hbm>> -> memref<1x200x64xf32, #tpu.memory_space<hbm>>
    %dma_wait3A_47 = tpu.memref_squeeze %dma_wait3A_46 : memref<1x200x64xf32, #tpu.memory_space<hbm>> -> memref<200x64xf32, #tpu.memory_space<hbm>>
    tpu.wait_dma2 semaphore(%arg13 : memref<!tpu.dma_semaphore, #tpu.memory_space<semaphore_mem>>) src(%arg9 : memref<200x64xf32, #tpu.memory_space<vmem>>) dst(%dma_wait3A_47 : memref<200x64xf32, #tpu.memory_space<hbm>>)
    return
  }
}

module attributes {stable_mosaic.version = 14 : i64} {
  func.func @_tc_body(%arg0: i32, %arg1: memref<32x200x128xf32, #tpu.memory_space<vmem>>, %arg2: memref<1x1x64xi32, #tpu.memory_space<vmem>>, %arg3: memref<32x200x64xf32, #tpu.memory_space<vmem>>) attributes {dimension_semantics = [#tpu.dimension_semantics<arbitrary>], iteration_bounds = array<i64: 96>, scalar_prefetch = 0 : i64, scratch_operands = 0 : i64, tpu.core_type = #tpu.core_type<tc>, window_params = [{transform_indices = @transform_0, window_bounds = array<i64: 32, 200, 128>}, {pipeline_mode = #tpu.pipeline_mode<synchronous>, transform_indices = @transform_1, window_bounds = array<i64: 1, 1, 64>}, {transform_indices = @transform_2, window_bounds = array<i64: 32, 200, 64>}]} {
    %get3A = arith.constant 0 : index
    %get3A_0 = arith.constant 0 : index
    %get3A_1 = arith.constant 0 : index
    %get3A_2 = vector.load %arg1[%get3A, %get3A_0, %get3A_1] : memref<32x200x128xf32, #tpu.memory_space<vmem>>, vector<32x200x128xf32>
    %get3A_3 = arith.constant 0 : index
    %get3A_4 = arith.constant 0 : index
    %get3A_5 = arith.constant 0 : index
    %get3A_6 = vector.load %arg2[%get3A_3, %get3A_4, %get3A_5] : memref<1x1x64xi32, #tpu.memory_space<vmem>>, vector<1x1x64xi32>
    %broadcast_in_dim3A = vector.shape_cast %get3A_6 : vector<1x1x64xi32> to vector<1x1x64xi32>
    %broadcast_in_dim3A_7 = vector.broadcast %broadcast_in_dim3A : vector<1x1x64xi32> to vector<32x200x64xi32>
    %lt3A = arith.constant 0 : i32
    %lt3A_8 = vector.broadcast %lt3A : i32 to vector<32x200x64xi32>
    %lt3A_9 = arith.cmpi slt, %broadcast_in_dim3A_7, %lt3A_8 : vector<32x200x64xi32>
    %add3A = arith.constant 128 : i32
    %add3A_10 = vector.broadcast %add3A : i32 to vector<32x200x64xi32>
    %add3A_11 = arith.addi %broadcast_in_dim3A_7, %add3A_10 : vector<32x200x64xi32>
    %select_n3A = arith.select %lt3A_9, %add3A_11, %broadcast_in_dim3A_7 : vector<32x200x64xi1>, vector<32x200x64xi32>
    %reshape3A = vector.shape_cast %select_n3A : vector<32x200x64xi32> to vector<32x200x64x1xi32>
    %gather3A = vector.shape_cast %reshape3A : vector<32x200x64x1xi32> to vector<32x200x64xi32>
    %gather3A_12 = tpu.dynamic_gather %get3A_2[%gather3A] in [2] : vector<32x200x128xf32>, vector<32x200x64xi32> -> vector<32x200x64xf32>
    %swap3A = arith.constant 0 : index
    %swap3A_13 = arith.constant 0 : index
    %swap3A_14 = arith.constant 0 : index
    %swap3A_15 = vector.load %arg3[%swap3A, %swap3A_13, %swap3A_14] : memref<32x200x64xf32, #tpu.memory_space<vmem>>, vector<32x200x64xf32>
    tpu.vector_store %arg3[%swap3A, %swap3A_13, %swap3A_14], %gather3A_12 {strides = array<i32>} : memref<32x200x64xf32, #tpu.memory_space<vmem>>, vector<32x200x64xf32>,
    return
  }
  func.func @transform_0(%arg0: i32) -> (i32, i32, i32) {
    %c0_i32 = arith.constant 0 : i32
    %c0_i32_0 = arith.constant 0 : i32
    %c0_i32_1 = arith.constant 0 : i32
    return %arg0, %c0_i32, %c0_i32_0 : i32, i32, i32
  }
  func.func @transform_1(%arg0: i32) -> (i32, i32, i32) {
    %c0_i32 = arith.constant 0 : i32
    %c0_i32_0 = arith.constant 0 : i32
    %c0_i32_1 = arith.constant 0 : i32
    %c0_i32_2 = arith.constant 0 : i32
    return %c0_i32, %c0_i32_0, %c0_i32_1 : i32, i32, i32
  }
  func.func @transform_2(%arg0: i32) -> (i32, i32, i32) {
    %c0_i32 = arith.constant 0 : i32
    %c0_i32_0 = arith.constant 0 : i32
    %c0_i32_1 = arith.constant 0 : i32
    return %arg0, %c0_i32, %c0_i32_0 : i32, i32, i32
  }
}

</mosaic_0001>

<sc_bundles>
// kernel: kernel.4.cloned.1.call-start
scs
__scs_entry_jumppad:
0x0: {  	(pc) =	sbr.rel $0x88, $3  }
0x1: {  	(tag) =	ssettag $0x0;
	lr =	simm.s32 $0x1  }
0x2: {  	[smem:$0x3F9F] =	sst lr;
	_ =	strace $0xD0000000  }
0x3: {  	_ = 	snop  }
0x4: {  	_ = 	snop  }
0x5: {  	_ = 	snop  }
0x6: {  	_ = 	snop  }
0x7: {  	_ = 	snop  }
__scs_overlays_trampoline_lowered:
0x8: {  	[smem:$0x3FAE] =	sst s0  }
0x9: {  	[smem:$0x3FAF] =	sst s1  }
0xa: {  	[smem:$0x3FB0] =	sst s2  }
0xb: {  	[smem:$0x3FB1] =	sst s3  }
0xc: {  	[smem:$0x3FB2] =	sst s4  }
0xd: {  	[smem:$0x3FB3] =	sst s5  }
0xe: {  	[smem:$0x3FB4] =	sst s6  }
0xf: {  	[smem:$0x3FB5] =	sst s7  }
0x10: {  	[smem:$0x3FB6] =	sst s8  }
0x11: {  	[smem:$0x3FB7] =	sst s9;
	s0 =	simm.s32 @!p0 $0x0  }
0x12: {  	s1 =	sld [smem:$0x3F9D];
	s0 =	simm.s32 @p0 $0x1  }
0x13: {  	[smem:$0x3FB8] =	sst s0;
	s0 =	simm.s32 @!p1 $0x0  }
0x14: {  	s2 =	sld [smem:$0x3F9C];
	s0 =	simm.s32 @p1 $0x1  }
0x15: {  	[smem:$0x3FB9] =	sst s0;
	s0 =	simm.s32 @!p2 $0x0  }
0x16: {  	s3 =	sld [smem:$0x3FDB];
	s0 =	simm.s32 @p2 $0x1  }
0x17: {  	s4 =	simm.s32 $0x1BF5;
	[smem:$0x3FBB] =	sst s0  }
0x18: {  	s0 =	sld [smem:$0x3F9E];
	_ =	swait.ge [sflag:s4], $0x0  }
0x19: {  	s7 =	sld [smem:$0x3F9F]  }
0x1a: {  	s8 =	sadd.s32 $0xFFFFE003, lr  }
0x1b: {  	s9 =	sadd.s32 $0xFFFFFEF7, lr;
	s5 =	simm.s32 $0xFFFFFFFF;
	p2 =	slt.u32 s8, $0xFFFFF086  }
0x1c: {  	p1 =	slt.u32 s9, $0xF7A;
	s5 =	simm.s32 @!p2 $0x0  }
0x1d: {  	s5 =	simm.s32 @p1 $0x1;
	p0 =	seq.s32 s7, s2  }
0x1e: {  	s7 =	smul.u32 @!p0 $0xF7A, s2;
	p2 =	seq.s32 @!p0 s5, $0x0  }
0x1f: {  	s9 =	smul.u32 $0xF7A, s1;
	s8 =	simm.s32 @!p0 $0x1BF5;
	p2 =	por !p2, p0  }
0x20: {  	[sflag:s8] =	ssyncset.s32 @!p0 $0xFFFFF086;
	s6 =	sadd.s32 @!p0 s3, s7;
	s7 =	simm.s32 @!p0 $0x108  }
0x21: {  	s3 =	sadd.s32 s3, s9;
	s6 =	sadd.s32 @!p0 $0x88, s6;
	s7 =	simm.s32 @p2 $0x1082  }
0x22: {  	[simem:s7], [sflag:s8] =	dma.local @!p0 [hbm:s6], $0xF7A  }
0x23: {  	s9 =	sor.u32 $0xD0000000, s2;
	s6 =	simm.s32 $0x108;
	_ =	swait.ge @!p0 [sflag:s8], $0x0  }
0x24: {  	s3 =	sadd.s32 $0x88, s3;
	s6 =	simm.s32 @!p1 $0x1082;
	[sflag:s4] =	ssyncset.s32 $0xFFFFF086  }
0x25: {  	[simem:s6], [sflag:s4] =	dma.local [hbm:s3], $0xF7A  }
0x26: {  	[smem:$0x3F9F] =	sst s1;
	(tag) =	ssettag s2;
	_ =	strace s9  }
0x27: {  	s1 =	sld [smem:$0x3FAF]  }
0x28: {  	s2 =	sld [smem:$0x3FB0]  }
0x29: {  	s4 =	sld [smem:$0x3FB2]  }
0x2a: {  	p0 =	seq.s32 s5, $0x0;
	s5 =	sld [smem:$0x3FB3]  }
0x2b: {  	s6 =	sld [smem:$0x3FB4]  }
0x2c: {  	s7 =	sld [smem:$0x3FB5]  }
0x2d: {  	s3 =	simm.s32 $0x108;
	s8 =	sld [smem:$0x3FB6]  }
0x2e: {  	s3 =	simm.s32 @!p0 $0x1082;
	s9 =	sld [smem:$0x3FB7]  }
0x2f: {  	lr =	sadd.s32 s0, s3;
	s0 =	sld [smem:$0x3FAE]  }
0x30: {  	s3 =	sld [smem:$0x3FB1]  }
0x31: {  	[smem:$0x3FBA] =	sst s10  }
0x32: {  	s10 =	sld [smem:$0x3FB8];
	_ =	sdelay $0x3  }
0x33: {  	p0 =	seq.s32 s10, $0x1;
	s10 =	sld [smem:$0x3FBA];
	_ =	sdelay $0x3  }
0x34: {  	[smem:$0x3FBA] =	sst s10  }
0x35: {  	s10 =	sld [smem:$0x3FB9];
	_ =	sdelay $0x3  }
0x36: {  	p1 =	seq.s32 s10, $0x1;
	s10 =	sld [smem:$0x3FBA];
	_ =	sdelay $0x3  }
0x37: {  	[smem:$0x3FBA] =	sst s10  }
0x38: {  	s10 =	sld [smem:$0x3FBB]  }
0x39: {  	_ = 	snop;
	(pc) =	sbr.ind lr, $3  }
0x3a: {  	_ = 	snop  }
0x3b: {  	_ = 	snop  }
0x3c: {  	p2 =	seq.s32 s10, $0x1;
	s10 =	sld [smem:$0x3FBA]  }
0x3d: {  	_ =	shalt  }
0x3e: {  	_ =	shalt  }
0x3f: {  	_ =	shalt  }
0x40: {  	_ =	shalt  }
0x41: {  	_ =	shalt  }
0x42: {  	_ =	shalt  }
0x43: {  	_ =	shalt  }
0x44: {  	_ =	shalt  }
0x45: {  	_ =	shalt  }
0x46: {  	_ =	shalt  }
0x47: {  	_ =	shalt  }
0x48: {  	_ =	shalt  }
0x49: {  	_ =	shalt  }
0x4a: {  	_ =	shalt  }
0x4b: {  	_ =	shalt  }
0x4c: {  	_ =	shalt  }
0x4d: {  	_ =	shalt  }
0x4e: {  	_ =	shalt  }
0x4f: {  	_ =	shalt  }
0x50: {  	_ =	shalt  }
0x51: {  	_ =	shalt  }
0x52: {  	_ =	shalt  }
0x53: {  	_ =	shalt  }
0x54: {  	_ =	shalt  }
0x55: {  	_ =	shalt  }
0x56: {  	_ =	shalt  }
0x57: {  	_ =	shalt  }
0x58: {  	_ =	shalt  }
0x59: {  	_ =	shalt  }
0x5a: {  	_ =	shalt  }
0x5b: {  	_ =	shalt  }
0x5c: {  	_ =	shalt  }
0x5d: {  	_ =	shalt  }
0x5e: {  	_ =	shalt  }
0x5f: {  	_ =	shalt  }
0x60: {  	_ =	shalt  }
0x61: {  	_ =	shalt  }
0x62: {  	_ =	shalt  }
0x63: {  	_ =	shalt  }
0x64: {  	_ =	shalt  }
0x65: {  	_ =	shalt  }
0x66: {  	_ =	shalt  }
0x67: {  	_ =	shalt  }
0x68: {  	_ =	shalt  }
0x69: {  	_ =	shalt  }
0x6a: {  	_ =	shalt  }
0x6b: {  	_ =	shalt  }
0x6c: {  	_ =	shalt  }
0x6d: {  	_ =	shalt  }
0x6e: {  	_ =	shalt  }
0x6f: {  	_ =	shalt  }
0x70: {  	_ =	shalt  }
0x71: {  	_ =	shalt  }
0x72: {  	_ =	shalt  }
0x73: {  	_ =	shalt  }
0x74: {  	_ =	shalt  }
0x75: {  	_ =	shalt  }
0x76: {  	_ =	shalt  }
0x77: {  	_ =	shalt  }
0x78: {  	_ =	shalt  }
0x79: {  	_ =	shalt  }
0x7a: {  	_ =	shalt  }
0x7b: {  	_ =	shalt  }
0x7c: {  	_ =	shalt  }
0x7d: {  	_ =	shalt  }
0x7e: {  	_ =	shalt  }
0x7f: {  	_ =	shalt  }
0x80: {  	_ =	shalt  }
0x81: {  	_ =	shalt  }
0x82: {  	_ =	shalt  }
0x83: {  	_ =	shalt  }
0x84: {  	_ =	shalt  }
0x85: {  	_ =	shalt  }
0x86: {  	_ =	shalt  }
0x87: {  	_ =	shalt  }
.Lfunc_end0:
.L_simem_size_0:
called_computation.1_lowered:
.L_overlay_start_0:
0x88: {  	s2 =	sld [smem:$0x3FD9]  }
0x89: {  	s3 =	sld [smem:$0x3FFE];
	_ =	sdelay $0x1  }
0x8a: {  	s1 =	srdreg.scid  }
0x8b: {  	s0 =	sand.u32 $0x1, s1  }
0x8c: {  	s18 =	sshll.u32 s0, $0xA;
	s2 =	sadd.s32 s3, s2  }
0x8d: {  	s2 =	sadd.s32 s2, s18  }
0x8e: {  	[smem:$0x3FC6] =	sst s2  }
0x8f: {  	_ = 	snop  }
0x90: {  	s2 =	sld [smem:$0x3FC9]  }
0x91: {  	s19 =	sld [smem:$0x3FC8]  }
0x92: {  	s4 =	sld [smem:$0x3FD0];
	(tm) =	ssettm $0x1  }
0x93: {  	s5 =	sld [smem:$0x3FFB];
	_ =	sdelay $0x3  }
0x94: {  	_ =	strace s5  }
0x95: {  	s5 =	sld [smem:$0x3FFC];
	_ =	sdelay $0x3  }
0x96: {  	_ =	strace s5  }
0x97: {  	s5 =	sld [smem:$0x3FFD];
	_ =	sdelay $0x3  }
0x98: {  	_ =	strace s5  }
0x99: {  	_ =	strace $0x8FFFFFFF  }
0x9a: {  	s20 =	sld [smem:$0x3FDB];
	_ =	sdelay $0x1  }
0x9b: {  	s6 =	simm.s32 $_scs_section_size  }
0x9c: {  	s7 =	simm.s32 $_size__tile_overlayer_lowered;
	s8 =	simm.s32 $_tile_overlayer_lowered  }
0x9d: {  	s23 =	simm.s32 $0x1BFF;
	s22 =	sshll.u32 s8, $0x1;
	s5 =	sadd.s32 s6, s20  }
0x9e: {  	s9 =	simm.s32 $0x0;
	s21 =	sshll.u32 s7, $0x1;
	s7 =	sadd.s32 s22, s5  }
0x9f: {  	[timem:s9], [sflag:s23] =	dma.local [hbm:s7], s21  }
0xa0: {  	_ =	swait.ge [sflag:s23], s21  }
0xa1: {  	s6 =	ssub.s32 $0x0, s21;
	[sflag:s23] =	ssyncset.done $0x0  }
0xa2: {  	[sflag:s23] =	ssyncadd.s32 s6;
	_ =	sdelay $0x1  }
0xa3: {  	s24 =	simm.s32 $0x1B8B  }
0xa4: {  	_ =	swait.ge [sflag:s24], $0x1  }
0xa5: {  	[sflag:s24] =	ssyncset.done $0x0  }
0xa6: {  	s25 =	simm.s32 $0x1B8E;
	[sflag:s24] =	ssyncadd.s32 $0xFFFFFFFF  }
0xa7: {  	s26 =	simm.s32 $execute0_lowered;
	[smem:$0x3FD2] =	sst s25  }
0xa8: {  	s6 =	sshll.u32 s26, $0x1;
	_ =	strace $0x80000046;
	[dreg:$0x1] =	wrdreg $0xFFFFFFFF  }
0xa9: {  	s28 =	simm.s32 $_size_execute0_lowered;
	s5 =	sadd.s32 s5, s6;
	[dreg:$0x0] =	wrdreg $0x0  }
0xaa: {  	s6 =	sshll.u32 s28, $0x1;
	[dreg:$0x2] =	wrdreg s5  }
0xab: {  	[dreg:$0x3] =	wrdreg s6  }
0xac: {  	[dreg:$0x4] =	wrdreg $0xC0  }
0xad: {  	_ =	task [dreg:s9], $0x5FFFF  }
0xae: {  	[dreg:$0x1] =	wrdreg $0xFFFFFFFF  }
0xaf: {  	[dreg:$0x0] =	wrdreg $0x60  }
0xb0: {  	[dreg:$0x2] =	wrdreg s2  }
0xb1: {  	[dreg:$0x3] =	wrdreg s19  }
0xb2: {  	[dreg:$0x4] =	wrdreg s4  }
0xb3: {  	[dreg:$0x5] =	wrdreg $0x9  }
0xb4: {  	_ =	task.clear_ibuf [dreg:s9], $0x6FFFF;
	_ =	strace $0x90000046  }
0xb5: {  	s29 =	simm.s32 $0x9;
	_ =	strace $0x80000048  }
0xb6: {  	_ =	swait.ge [sflag:s29], $0x1  }
0xb7: {  	[sflag:s29] =	ssyncadd.s32 $0xFFFFFFFF  }
0xb8: {  	_ =	strace $0x90000048  }
0xb9: {  	_ =	sfence  }
0xba: {  	s30 =	sld [smem:$0x0];
	_ =	sdelay $0x2  }
0xbb: {  	s31 =	sshll.u32 s1, $0xD;
	s1 =	sshrl.u32 s1, $0x2  }
0xbc: {  	s3 =	sand.u32 $0x4000, s31;
	s1 =	sadd.s32 s1, s30  }
0xbd: {  	s0 =	sor.u32 s3, s0;
	s1 =	sshll.u32 s1, $0x11  }
0xbe: {  	s0 =	sor.u32 s1, s0  }
0xbf: {  	s0 =	sadd.s32 $0x8F2B, s0  }
0xc0: {  	[sflag:s0] =	ssyncadd.remote.s32 $0x1  }
0xc1: {  	_ =	sfence.sel $0xFFFF  }
0xc2: {  	[dreg:$0x0] =	wrdreg $0xFFFFFFFF;
	(pc) =	sbr.abs _section_cstart, $3  }
0xc3: {  	[dreg:$0x1] =	wrdreg $0xFFFFFFFF  }
0xc4: {  	_ =	task.clear_ibuf [dreg:s9], $0x2FFFF;
	_ =	strace $0x9FFFFFFF  }
0xc5: {  	(tm) =	ssettm $0x7FFFFFFF  }
tec
execute0_lowered:
.L_overlay_start_1:
0x0: {  	(tag) =	ssettag $0x1  }
0x1: {  	s0 =	srdreg.scid;
	s1 =	rddreg [dreg:$0x0]  }
0x2: {  	s2 =	stileid.u32;
	s4 =	rddreg [dreg:$0x2]  }
0x3: {  	s7 =	simm.s32 $0x0;
	s11 =	simm.s32 $0x5;
	s12 =	simm.s32 $0x80  }
0x4: {  	s13 =	simm.s32 $0x6480;
	s14 =	simm.s32 $0x1;
	s0 =	sand.u32 $0x1, s0  }
0x5: {  	s15 =	simm.s32 $0xC880;
	s2 =	sshll.u32 s2, $0x6;
	s3 =	sshll.u32 s0, $0x5  }
0x6: {  	s16 =	simm.s32 $0x2;
	s0 =	ssub.s32 $0x2, s0;
	s5 =	sor.u32 s3, s2  }
0x7: {  	s17 =	simm.s32 $0x4;
	s31 =	sshrl.u32 s0, $0x1;
	s6 =	sor.u32 $0xC00, s5  }
0x8: {  	s18 =	simm.s32 $0x12C80;
	s0 =	ssub.s32 s0, s31;
	s30 =	smul.u32 $0xC80, s6  }
0x9: {  	s19 =	simm.s32 $0x3;
	[smem:$0x7FF] =	sst s7;
	s0 =	smax.u32 s0, $0x1  }
0xa: {  	_ =	strace $0x80000047;
	[dreg:$0x5] =	wrdreg s0;
	s2 =	sadd.s32 s1, s30  }
0xb: {  	s20 =	simm.s32 $0x0;
	s9 =	sor.u32 $0xC02, s5;
	[dreg:$0x4] =	wrdreg s2  }
.LBB2_1:
0xc: {  	s0 =	rddreg [dreg:$0x1]  }
0xd: {  	[tilespmem:s7], [sflag:$0x5] =	stream.linear.gather [hbm4b:s0+s7], $0x80, $0x38;
	[tilespmem:$0x19080] =	vst v63  }
0xe: {  	_ =	swait.ge [sflag:s11], $0x80  }
0xf: {  	[sflag:s11] =	ssyncset.done $0x0  }
0x10: {  	[sflag:s11] =	ssyncadd.s32 $0xFFFFFF80  }
0x11: {  	v0 =	vld [tilespmem:$0x0]  }
0x12: {  	v1 =	vld [tilespmem:$0x10]  }
0x13: {  	s21 =	simm.s32 $0x0;
	s31 =	rddreg [dreg:$0x4];
	v2 =	vld [tilespmem:$0x20]  }
0x14: {  	v3 =	vld [tilespmem:$0x30];
	[tilespmem:s12], [sflag:$0x1] =	stream.linear.gather [hbm4b:s31+s7], $0x6400, $0x38  }
.LBB2_2:
0x15: {  	s22 =	sshllo.u32 s21, $0x1  }
0x16: {  	s0 =	sadd.s32 s6, s22  }
0x17: {  	s0 =	smul.u32 $0xC80, s0;
	_ =	sdelay $0x1  }
0x18: {  	s0 =	sadd.s32 s1, s0  }
0x19: {  	[tilespmem:s13], [sflag:$0x2] =	stream.linear.gather [hbm4b:s0+s7], $0x6400, $0x38;
	[tilespmem:$0x19080] =	vst v63  }
0x1a: {  	s2 =	simm.s32 $0x0;
	_ =	swait.ge [sflag:s14], $0x6400  }
0x1b: {  	p0 =	seq.s32 s21, $0x0;
	s30 =	simm.s32 $0x80;
	v4 =	vadd.s32 s2, v0;
	[sflag:s14] =	ssyncset.done $0x0  }
0x1c: {  	s3 =	simm.s32 $0x100;
	s8 =	simm.s32 @!p0 $0x3;
	v5 =	vadd.s32 s30, v0;
	[sflag:s14] =	ssyncadd.s32 $0xFFFF9C00  }
0x1d: {  	s26 =	simm.s32 $0x180;
	v6 =	vadd.s32 s3, v0;
	_ =	swait.ge @!p0 [sflag:s8], $0x6400  }
0x1e: {  	s25 =	simm.s32 $0x200;
	v7 =	vadd.s32 s26, v0;
	[sflag:s8] =	ssyncset.done @!p0 $0x0  }
0x1f: {  	s24 =	simm.s32 $0x280;
	v8 =	vadd.s32 s25, v0;
	[sflag:s8] =	ssyncadd.s32 @!p0 $0xFFFF9C00  }
0x20: {  	s10 =	simm.s32 $0x300;
	v9 =	vadd.s32 s24, v0;
	v4 =	vld.idx.msk [tilespmem:v4+s12+$0x0], $0xffff  }
0x21: {  	s31 =	simm.s32 $0x380;
	v10 =	vadd.s32 s10, v0;
	v5 =	vld.idx.msk [tilespmem:v5+s12+$0x0], $0xffff  }
0x22: {  	v11 =	vadd.s32 s31, v0;
	v6 =	vld.idx.msk [tilespmem:v6+s12+$0x0], $0xffff  }
0x23: {  	v12 =	vadd.s32 s30, v1;
	v7 =	vld.idx.msk [tilespmem:v7+s12+$0x0], $0xffff  }
0x24: {  	s23 =	simm.s32 $0xCA80;
	v13 =	vadd.s32 s2, v1;
	v8 =	vld.idx.msk [tilespmem:v8+s12+$0x0], $0xffff  }
0x25: {  	v14 =	vadd.s32 s3, v1;
	v9 =	vld.idx.msk [tilespmem:v9+s12+$0x0], $0xffff;
	[tilespmem:s23+$0xFFFFFE00] =	vst v4  }
0x26: {  	v15 =	vadd.s32 s26, v1;
	v4 =	vld.idx.msk [tilespmem:v10+s12+$0x0], $0xffff;
	[tilespmem:s23+$0xFFFFFE80] =	vst v5  }
0x27: {  	v10 =	vadd.s32 s25, v1;
	v5 =	vld.idx.msk [tilespmem:v11+s12+$0x0], $0xffff;
	[tilespmem:s23+$0xFFFFFF00] =	vst v6  }
0x28: {  	v11 =	vadd.s32 s24, v1;
	[tilespmem:s23+$0xFFFFFF80] =	vst v7;
	v12 =	vld.idx.msk [tilespmem:v12+s12+$0x0], $0xffff  }
0x29: {  	v6 =	vadd.s32 s10, v1;
	[tilespmem:s23+$0x0] =	vst v8;
	v13 =	vld.idx.msk [tilespmem:v13+s12+$0x0], $0xffff  }
0x2a: {  	v7 =	vadd.s32 s31, v1;
	[tilespmem:s23+$0x80] =	vst v9;
	v14 =	vld.idx.msk [tilespmem:v14+s12+$0x0], $0xffff  }
0x2b: {  	v8 =	vadd.s32 s2, v2;
	v15 =	vld.idx.msk [tilespmem:v15+s12+$0x0], $0xffff;
	[tilespmem:s23+$0x100] =	vst v4  }
0x2c: {  	v9 =	vadd.s32 s3, v2;
	v10 =	vld.idx.msk [tilespmem:v10+s12+$0x0], $0xffff;
	[tilespmem:s23+$0x180] =	vst v5  }
0x2d: {  	v4 =	vadd.s32 s26, v2;
	v11 =	vld.idx.msk [tilespmem:v11+s12+$0x0], $0xffff;
	[tilespmem:s23+$0xFFFFFE90] =	vst v12  }
0x2e: {  	v5 =	vld.idx.msk [tilespmem:v6+s12+$0x0], $0xffff;
	v12 =	vadd.s32 s24, v2;
	[tilespmem:s23+$0xFFFFFE10] =	vst v13  }
0x2f: {  	v13 =	vadd.s32 s10, v2;
	v7 =	vld.idx.msk [tilespmem:v7+s12+$0x0], $0xffff;
	[tilespmem:s23+$0xFFFFFF10] =	vst v14  }
0x30: {  	[tilespmem:s23+$0xFFFFFF90] =	vst v15;
	v15 =	vadd.s32 s31, v2;
	v8 =	vld.idx.msk [tilespmem:v8+s12+$0x0], $0xffff  }
0x31: {  	v14 =	vadd.s32 s30, v2;
	v6 =	vld.idx.msk [tilespmem:v9+s12+$0x0], $0xffff  }
0x32: {  	v18 =	vadd.s32 s25, v2;
	v17 =	vld.idx.msk [tilespmem:v4+s12+$0x0], $0xffff;
	[tilespmem:s23+$0x90] =	vst v11  }
0x33: {  	v11 =	vadd.s32 s26, v3;
	v4 =	vld.idx.msk [tilespmem:v12+s12+$0x0], $0xffff;
	[tilespmem:s23+$0x110] =	vst v5  }
0x34: {  	v16 =	vadd.s32 s2, v3;
	[tilespmem:s23+$0x190] =	vst v7;
	v9 =	vld.idx.msk [tilespmem:v13+s12+$0x0], $0xffff  }
0x35: {  	[tilespmem:s23+$0xFFFFFE20] =	vst v8;
	v8 =	vld.idx.msk [tilespmem:v15+s12+$0x0], $0xffff;
	v15 =	vadd.s32 s3, v3  }
0x36: {  	[tilespmem:s23+$0x10] =	vst v10;
	v7 =	vld.idx.msk [tilespmem:v14+s12+$0x0], $0xffff;
	v14 =	vadd.s32 s10, v3  }
0x37: {  	v10 =	vld.idx.msk [tilespmem:v18+s12+$0x0], $0xffff;
	v13 =	vadd.s32 s30, v3;
	[tilespmem:s23+$0xFFFFFFA0] =	vst v17  }
0x38: {  	s28 =	simm.s32 $0x8;
	s26 =	simm.s32 $0xCA80;
	v5 =	vadd.s32 s25, v3;
	s25 =	sshll.u32 s21, $0x1;
	v12 =	vadd.s32 s31, v3;
	v11 =	vld.idx.msk [tilespmem:v11+s12+$0x0], $0xffff  }
.LBB2_3:
0x39: {  	s31 =	sshll.u32 s28, $0x7;
	p1 =	slt.u32 s28, $0xC0;
	s28 =	sadd.s32 $0x8, s28;
	v16 =	vld.idx.msk [tilespmem:v16+s12+$0x0], $0xffff;
	[tilespmem:s23+$0xFFFFFF20] =	vst v6  }
0x3a: {  	v6 =	vadd.s32 s31, v0;
	s30 =	sadd.s32 $0x80, s31;
	s0 =	sadd.s32 $0x180, s31;
	s29 =	sadd.s32 $0x380, s31;
	v15 =	vld.idx.msk [tilespmem:v15+s12+$0x0], $0xffff;
	[tilespmem:s23+$0x120] =	vst v9  }
0x3b: {  	s2 =	sadd.s32 $0x100, s31;
	s3 =	sadd.s32 $0x200, s31;
	s10 =	sadd.s32 $0x280, s31;
	v9 =	vadd.s32 s30, v0;
	v17 =	vadd.s32 s0, v1;
	[tilespmem:s23+$0xFFFFFEA0] =	vst v7;
	v7 =	vld.idx.msk [tilespmem:v14+s12+$0x0], $0xffff  }
0x3c: {  	v14 =	vadd.s32 s2, v0;
	v18 =	vadd.s32 s10, v1;
	v13 =	vld.idx.msk [tilespmem:v13+s12+$0x0], $0xffff;
	[tilespmem:s23+$0x1A0] =	vst v8  }
0x3d: {  	v19 =	vadd.s32 s3, v3;
	v8 =	vadd.s32 s0, v0;
	[tilespmem:s23+$0x20] =	vst v10;
	v10 =	vld.idx.msk [tilespmem:v12+s12+$0x0], $0xffff  }
0x3e: {  	v12 =	vadd.s32 s3, v0;
	[tilespmem:s23+$0xFFFFFFB0] =	vst v11;
	v11 =	vld.idx.msk [tilespmem:v5+s12+$0x0], $0xffff;
	v5 =	vmov v19  }
0x3f: {  	s8 =	sadd.s32 $0x300, s31;
	v19 =	vadd.s32 s10, v0;
	v6 =	vld.idx.msk [tilespmem:v6+s12+$0x0], $0xffff;
	[tilespmem:s23+$0xFFFFFE30] =	vst v16  }
0x40: {  	v16 =	vadd.s32 s8, v0;
	v9 =	vld.idx.msk [tilespmem:v9+s12+$0x0], $0xffff;
	[tilespmem:s23+$0xFFFFFF30] =	vst v15  }
0x41: {  	v15 =	vadd.s32 s29, v0;
	v14 =	vld.idx.msk [tilespmem:v14+s12+$0x0], $0xffff;
	[tilespmem:s23+$0x130] =	vst v7  }
0x42: {  	v20 =	vadd.s32 s30, v1;
	v7 =	vadd.s32 s31, v1;
	v8 =	vld.idx.msk [tilespmem:v8+s12+$0x0], $0xffff;
	[tilespmem:s23+$0xFFFFFEB0] =	vst v13  }
0x43: {  	v13 =	vadd.s32 s2, v1;
	v12 =	vld.idx.msk [tilespmem:v12+s12+$0x0], $0xffff;
	[tilespmem:s23+$0x1B0] =	vst v10  }
0x44: {  	s23 =	sadd.s32 $0x400, s23;
	v10 =	vld.idx.msk [tilespmem:v19+s12+$0x0], $0xffff;
	[tilespmem:s26+$0x30] =	vst v11  }
0x45: {  	[tilespmem:s23+$0xFFFFFE00] =	vst v6;
	v6 =	vadd.s32 s3, v1;
	v11 =	vld.idx.msk [tilespmem:v16+s12+$0x0], $0xffff  }
0x46: {  	[tilespmem:s23+$0xFFFFFE80] =	vst v9;
	v9 =	vld.idx.msk [tilespmem:v15+s12+$0x0], $0xffff  }
0x47: {  	v15 =	vld.idx.msk [tilespmem:v20+s12+$0x0], $0xffff;
	[tilespmem:s23+$0xFFFFFF00] =	vst v14;
	v14 =	vadd.s32 s8, v1  }
0x48: {  	v7 =	vld.idx.msk [tilespmem:v7+s12+$0x0], $0xffff;
	[tilespmem:s23+$0xFFFFFF80] =	vst v8;
	v8 =	vadd.s32 s29, v1  }
0x49: {  	v13 =	vld.idx.msk [tilespmem:v13+s12+$0x0], $0xffff;
	[tilespmem:s23+$0x0] =	vst v12  }
0x4a: {  	v12 =	vadd.s32 s31, v2;
	v16 =	vld.idx.msk [tilespmem:v17+s12+$0x0], $0xffff;
	[tilespmem:s23+$0x80] =	vst v10  }
0x4b: {  	v10 =	vadd.s32 s2, v2;
	v17 =	vld.idx.msk [tilespmem:v6+s12+$0x0], $0xffff;
	[tilespmem:s23+$0x100] =	vst v11  }
0x4c: {  	v11 =	vadd.s32 s0, v2;
	v18 =	vld.idx.msk [tilespmem:v18+s12+$0x0], $0xffff;
	[tilespmem:s23+$0x180] =	vst v9  }
0x4d: {  	[tilespmem:s23+$0xFFFFFE90] =	vst v15;
	v9 =	vld.idx.msk [tilespmem:v14+s12+$0x0], $0xffff;
	v14 =	vadd.s32 s24, v3;
	s24 =	smov.u32 s10  }
0x4e: {  	v15 =	vadd.s32 s8, v2;
	[tilespmem:s23+$0xFFFFFE10] =	vst v7;
	v7 =	vadd.s32 s24, v2;
	v8 =	vld.idx.msk [tilespmem:v8+s12+$0x0], $0xffff  }
0x4f: {  	v12 =	vld.idx.msk [tilespmem:v12+s12+$0x0], $0xffff;
	[tilespmem:s23+$0xFFFFFF10] =	vst v13  }
0x50: {  	v13 =	vadd.s32 s30, v2;
	v6 =	vld.idx.msk [tilespmem:v10+s12+$0x0], $0xffff;
	[tilespmem:s23+$0xFFFFFF90] =	vst v16  }
0x51: {  	v10 =	vld.idx.msk [tilespmem:v11+s12+$0x0], $0xffff;
	v11 =	vadd.s32 s29, v2;
	[tilespmem:s26+$0xA0] =	vst v4  }
0x52: {  	v19 =	vadd.s32 s3, v2;
	[tilespmem:s23+$0x90] =	vst v18;
	v18 =	vld.idx.msk [tilespmem:v14+s12+$0x0], $0xffff  }
0x53: {  	v20 =	vadd.s32 s0, v3;
	v4 =	vld.idx.msk [tilespmem:v7+s12+$0x0], $0xffff;
	[tilespmem:s23+$0x110] =	vst v9  }
.Ltmp0:
0x54: {  	v16 =	vadd.s32 s31, v3;
	v9 =	vld.idx.msk [tilespmem:v15+s12+$0x0], $0xffff;
	[tilespmem:s23+$0x190] =	vst v8;
	(pc) =	sbr.rel @p1 .LBB2_3-.Ltmp0, $4  }
0x55: {  	v15 =	vadd.s32 s2, v3;
	v7 =	vld.idx.msk [tilespmem:v13+s12+$0x0], $0xffff;
	[tilespmem:s23+$0x10] =	vst v17  }
0x56: {  	v14 =	vadd.s32 s8, v3;
	[tilespmem:s23+$0xFFFFFE20] =	vst v12;
	v8 =	vld.idx.msk [tilespmem:v11+s12+$0x0], $0xffff  }
0x57: {  	v13 =	vadd.s32 s30, v3;
	[tilespmem:s23+$0xFFFFFFA0] =	vst v10;
	v10 =	vld.idx.msk [tilespmem:v19+s12+$0x0], $0xffff  }
0x58: {  	v12 =	vadd.s32 s29, v3;
	v11 =	vld.idx.msk [tilespmem:v20+s12+$0x0], $0xffff;
	[tilespmem:s26+$0xB0] =	vst v18;
	s26 =	smov.u32 s23  }
0x59: {  	_ =	sdelay $0x1  }
0x5a: {  	[tilespmem:s23+$0xFFFFFF20] =	vst v6  }
0x5b: {  	[tilespmem:s23+$0x120] =	vst v9  }
0x5c: {  	v59 =	vld.idx.msk [tilespmem:v16+s12+$0x0], $0xffff;
	[tilespmem:s26+$0xA0] =	vst v4  }
0x5d: {  	v61 =	vadd.s32 s24, v3;
	[tilespmem:s23+$0xFFFFFEA0] =	vst v7;
	v60 =	vld.idx.msk [tilespmem:v15+s12+$0x0], $0xffff  }
0x5e: {  	v9 =	vld.idx.msk [tilespmem:v14+s12+$0x0], $0xffff;
	[tilespmem:s23+$0x1A0] =	vst v8  }
0x5f: {  	v62 =	vld.idx.msk [tilespmem:v13+s12+$0x0], $0xffff;
	[tilespmem:s23+$0x20] =	vst v10  }
0x60: {  	v63 =	vld.idx.msk [tilespmem:v12+s12+$0x0], $0xffff;
	[tilespmem:s23+$0xFFFFFFB0] =	vst v11  }
0x61: {  	v5 =	vld.idx.msk [tilespmem:v5+s12+$0x0], $0xffff;
	[tilespmem:s23+$0xFFFFFE30] =	vst v59  }
0x62: {  	v4 =	vld.idx.msk [tilespmem:v61+s12+$0x0], $0xffff;
	[tilespmem:s23+$0xFFFFFF30] =	vst v60  }
0x63: {  	p1 =	sne.s32 s21, $0xF;
	[tilespmem:s23+$0x130] =	vst v9  }
.Ltmp1:
0x64: {  	s0 =	sadd.s32 s5, s25;
	[tilespmem:s23+$0xFFFFFEB0] =	vst v62;
	(pc) =	sbr.rel @p1 .LBB2_6-.Ltmp1, $4  }
0x65: {  	s0 =	smul.u32 $0xC80, s0;
	[tilespmem:s23+$0x1B0] =	vst v63  }
0x66: {  	[tilespmem:s26+$0x30] =	vst v5  }
0x67: {  	s0 =	sadd.s32 s4, s0;
	[tilespmem:s26+$0xB0] =	vst v4  }
0x68: {  	[hbm4b:s0+s7] =	stream.linear.scatter [tilespmem:s15], [sflag:$0x3], $0x6400, $0x38;
	[tilespmem:$0x19080] =	vst v63  }
.Ltmp2:
0x69: {  	(pc) =	sbr.rel .LBB2_7-.Ltmp2, $4  }
0x6a: {  	_ = 	snop  }
0x6b: {  	_ =	swait.ge [sflag:s16], $0x6400  }
0x6c: {  	[sflag:s16] =	ssyncset.done $0x0  }
0x6d: {  	[sflag:s16] =	ssyncadd.s32 $0xFFFF9C00  }
.LBB2_6:
0x6e: {  	s0 =	sadd.s32 s25, s9  }
0x6f: {  	s0 =	smul.u32 $0xC80, s0;
	_ =	sdelay $0x1  }
.Ltmp3:
0x70: {  	s0 =	sadd.s32 s1, s0;
	(pc) =	sbr.rel @p0 .LBB2_8-.Ltmp3, $4  }
0x71: {  	[tilespmem:s12], [sflag:$0x1] =	stream.linear.gather [hbm4b:s0+s7], $0x6400, $0x38;
	[tilespmem:$0x19080] =	vst v63  }
0x72: {  	_ =	swait.ge [sflag:s16], $0x6400  }
0x73: {  	[sflag:s16] =	ssyncset.done $0x0  }
0x74: {  	[sflag:s16] =	ssyncadd.s32 $0xFFFF9C00  }
.LBB2_7:
0x75: {  	_ =	swait.ge [sflag:s17], $0x6400  }
0x76: {  	[sflag:s17] =	ssyncset.done $0x0  }
0x77: {  	[sflag:s17] =	ssyncadd.s32 $0xFFFF9C00  }
.LBB2_8:
0x78: {  	s2 =	simm.s32 $0x0  }
0x79: {  	s0 =	simm.s32 $0x80;
	v4 =	vadd.s32 s2, v0  }
0x7a: {  	s3 =	simm.s32 $0x100;
	v5 =	vadd.s32 s0, v0  }
0x7b: {  	s26 =	simm.s32 $0x180;
	v6 =	vadd.s32 s3, v0  }
0x7c: {  	s25 =	simm.s32 $0x200;
	v7 =	vadd.s32 s26, v0  }
0x7d: {  	s24 =	simm.s32 $0x280;
	v8 =	vadd.s32 s25, v0  }
0x7e: {  	s10 =	simm.s32 $0x300;
	v9 =	vadd.s32 s24, v0;
	v4 =	vld.idx.msk [tilespmem:v4+s13+$0x0], $0xffff  }
0x7f: {  	s8 =	simm.s32 $0x380;
	v10 =	vadd.s32 s10, v0;
	v5 =	vld.idx.msk [tilespmem:v5+s13+$0x0], $0xffff  }
0x80: {  	v11 =	vadd.s32 s8, v0;
	v6 =	vld.idx.msk [tilespmem:v6+s13+$0x0], $0xffff  }
0x81: {  	v12 =	vadd.s32 s0, v1;
	v7 =	vld.idx.msk [tilespmem:v7+s13+$0x0], $0xffff  }
0x82: {  	s23 =	simm.s32 $0x12E80;
	v13 =	vadd.s32 s2, v1;
	v8 =	vld.idx.msk [tilespmem:v8+s13+$0x0], $0xffff  }
0x83: {  	v14 =	vadd.s32 s3, v1;
	v9 =	vld.idx.msk [tilespmem:v9+s13+$0x0], $0xffff;
	[tilespmem:s23+$0xFFFFFE00] =	vst v4  }
0x84: {  	v15 =	vadd.s32 s26, v1;
	v4 =	vld.idx.msk [tilespmem:v10+s13+$0x0], $0xffff;
	[tilespmem:s23+$0xFFFFFE80] =	vst v5  }
0x85: {  	v10 =	vadd.s32 s25, v1;
	v5 =	vld.idx.msk [tilespmem:v11+s13+$0x0], $0xffff;
	[tilespmem:s23+$0xFFFFFF00] =	vst v6  }
0x86: {  	v11 =	vadd.s32 s24, v1;
	[tilespmem:s23+$0xFFFFFF80] =	vst v7;
	v12 =	vld.idx.msk [tilespmem:v12+s13+$0x0], $0xffff  }
0x87: {  	v6 =	vadd.s32 s10, v1;
	[tilespmem:s23+$0x0] =	vst v8;
	v13 =	vld.idx.msk [tilespmem:v13+s13+$0x0], $0xffff  }
0x88: {  	v7 =	vadd.s32 s8, v1;
	[tilespmem:s23+$0x80] =	vst v9;
	v14 =	vld.idx.msk [tilespmem:v14+s13+$0x0], $0xffff  }
0x89: {  	v8 =	vadd.s32 s2, v2;
	v15 =	vld.idx.msk [tilespmem:v15+s13+$0x0], $0xffff;
	[tilespmem:s23+$0x100] =	vst v4  }
0x8a: {  	v9 =	vadd.s32 s3, v2;
	v10 =	vld.idx.msk [tilespmem:v10+s13+$0x0], $0xffff;
	[tilespmem:s23+$0x180] =	vst v5  }
0x8b: {  	v4 =	vadd.s32 s26, v2;
	v11 =	vld.idx.msk [tilespmem:v11+s13+$0x0], $0xffff;
	[tilespmem:s23+$0xFFFFFE90] =	vst v12  }
0x8c: {  	v5 =	vld.idx.msk [tilespmem:v6+s13+$0x0], $0xffff;
	v12 =	vadd.s32 s24, v2;
	[tilespmem:s23+$0xFFFFFE10] =	vst v13  }
0x8d: {  	v13 =	vadd.s32 s10, v2;
	v7 =	vld.idx.msk [tilespmem:v7+s13+$0x0], $0xffff;
	[tilespmem:s23+$0xFFFFFF10] =	vst v14  }
0x8e: {  	[tilespmem:s23+$0xFFFFFF90] =	vst v15;
	v15 =	vadd.s32 s8, v2;
	v8 =	vld.idx.msk [tilespmem:v8+s13+$0x0], $0xffff  }
0x8f: {  	v14 =	vadd.s32 s0, v2;
	v6 =	vld.idx.msk [tilespmem:v9+s13+$0x0], $0xffff  }
0x90: {  	v18 =	vadd.s32 s25, v2;
	v17 =	vld.idx.msk [tilespmem:v4+s13+$0x0], $0xffff;
	[tilespmem:s23+$0x90] =	vst v11  }
0x91: {  	v11 =	vadd.s32 s26, v3;
	v4 =	vld.idx.msk [tilespmem:v12+s13+$0x0], $0xffff;
	[tilespmem:s23+$0x110] =	vst v5  }
0x92: {  	v16 =	vadd.s32 s2, v3;
	[tilespmem:s23+$0x190] =	vst v7;
	v9 =	vld.idx.msk [tilespmem:v13+s13+$0x0], $0xffff  }
0x93: {  	[tilespmem:s23+$0xFFFFFE20] =	vst v8;
	v8 =	vld.idx.msk [tilespmem:v15+s13+$0x0], $0xffff;
	v15 =	vadd.s32 s3, v3  }
0x94: {  	[tilespmem:s23+$0x10] =	vst v10;
	v7 =	vld.idx.msk [tilespmem:v14+s13+$0x0], $0xffff;
	v14 =	vadd.s32 s10, v3  }
0x95: {  	v10 =	vld.idx.msk [tilespmem:v18+s13+$0x0], $0xffff;
	v13 =	vadd.s32 s0, v3;
	[tilespmem:s23+$0xFFFFFFA0] =	vst v17  }
0x96: {  	s26 =	simm.s32 $0x8;
	v5 =	vadd.s32 s25, v3;
	v12 =	vadd.s32 s8, v3;
	s25 =	simm.s32 $0x12E80;
	v11 =	vld.idx.msk [tilespmem:v11+s13+$0x0], $0xffff  }
.LBB2_9:
0x97: {  	s30 =	sshll.u32 s26, $0x7;
	p0 =	slt.u32 s26, $0xC0;
	s26 =	sadd.s32 $0x8, s26;
	v16 =	vld.idx.msk [tilespmem:v16+s13+$0x0], $0xffff;
	[tilespmem:s23+$0xFFFFFF20] =	vst v6  }
0x98: {  	v6 =	vadd.s32 s30, v0;
	s29 =	sadd.s32 $0x80, s30;
	s0 =	sadd.s32 $0x180, s30;
	s28 =	sadd.s32 $0x380, s30;
	v15 =	vld.idx.msk [tilespmem:v15+s13+$0x0], $0xffff;
	[tilespmem:s23+$0x120] =	vst v9  }
0x99: {  	s2 =	sadd.s32 $0x100, s30;
	s3 =	sadd.s32 $0x200, s30;
	s10 =	sadd.s32 $0x280, s30;
	v9 =	vadd.s32 s29, v0;
	v17 =	vadd.s32 s0, v1;
	[tilespmem:s23+$0xFFFFFEA0] =	vst v7;
	v7 =	vld.idx.msk [tilespmem:v14+s13+$0x0], $0xffff  }
0x9a: {  	v14 =	vadd.s32 s2, v0;
	v18 =	vadd.s32 s10, v1;
	v13 =	vld.idx.msk [tilespmem:v13+s13+$0x0], $0xffff;
	[tilespmem:s23+$0x1A0] =	vst v8  }
0x9b: {  	v19 =	vadd.s32 s3, v3;
	v8 =	vadd.s32 s0, v0;
	[tilespmem:s23+$0x20] =	vst v10;
	v10 =	vld.idx.msk [tilespmem:v12+s13+$0x0], $0xffff  }
0x9c: {  	v12 =	vadd.s32 s3, v0;
	[tilespmem:s23+$0xFFFFFFB0] =	vst v11;
	v11 =	vld.idx.msk [tilespmem:v5+s13+$0x0], $0xffff;
	v5 =	vmov v19  }
0x9d: {  	s8 =	sadd.s32 $0x300, s30;
	v19 =	vadd.s32 s10, v0;
	v6 =	vld.idx.msk [tilespmem:v6+s13+$0x0], $0xffff;
	[tilespmem:s23+$0xFFFFFE30] =	vst v16  }
0x9e: {  	v16 =	vadd.s32 s8, v0;
	v9 =	vld.idx.msk [tilespmem:v9+s13+$0x0], $0xffff;
	[tilespmem:s23+$0xFFFFFF30] =	vst v15  }
0x9f: {  	v15 =	vadd.s32 s28, v0;
	v14 =	vld.idx.msk [tilespmem:v14+s13+$0x0], $0xffff;
	[tilespmem:s23+$0x130] =	vst v7  }
0xa0: {  	v20 =	vadd.s32 s29, v1;
	v7 =	vadd.s32 s30, v1;
	v8 =	vld.idx.msk [tilespmem:v8+s13+$0x0], $0xffff;
	[tilespmem:s23+$0xFFFFFEB0] =	vst v13  }
0xa1: {  	v13 =	vadd.s32 s2, v1;
	v12 =	vld.idx.msk [tilespmem:v12+s13+$0x0], $0xffff;
	[tilespmem:s23+$0x1B0] =	vst v10  }
0xa2: {  	s23 =	sadd.s32 $0x400, s23;
	v10 =	vld.idx.msk [tilespmem:v19+s13+$0x0], $0xffff;
	[tilespmem:s25+$0x30] =	vst v11  }
0xa3: {  	[tilespmem:s23+$0xFFFFFE00] =	vst v6;
	v6 =	vadd.s32 s3, v1;
	v11 =	vld.idx.msk [tilespmem:v16+s13+$0x0], $0xffff  }
0xa4: {  	[tilespmem:s23+$0xFFFFFE80] =	vst v9;
	v9 =	vld.idx.msk [tilespmem:v15+s13+$0x0], $0xffff  }
0xa5: {  	v15 =	vld.idx.msk [tilespmem:v20+s13+$0x0], $0xffff;
	[tilespmem:s23+$0xFFFFFF00] =	vst v14;
	v14 =	vadd.s32 s8, v1  }
0xa6: {  	v7 =	vld.idx.msk [tilespmem:v7+s13+$0x0], $0xffff;
	[tilespmem:s23+$0xFFFFFF80] =	vst v8;
	v8 =	vadd.s32 s28, v1  }
0xa7: {  	v13 =	vld.idx.msk [tilespmem:v13+s13+$0x0], $0xffff;
	[tilespmem:s23+$0x0] =	vst v12  }
0xa8: {  	v12 =	vadd.s32 s30, v2;
	v16 =	vld.idx.msk [tilespmem:v17+s13+$0x0], $0xffff;
	[tilespmem:s23+$0x80] =	vst v10  }
0xa9: {  	v10 =	vadd.s32 s2, v2;
	v17 =	vld.idx.msk [tilespmem:v6+s13+$0x0], $0xffff;
	[tilespmem:s23+$0x100] =	vst v11  }
0xaa: {  	v11 =	vadd.s32 s0, v2;
	v18 =	vld.idx.msk [tilespmem:v18+s13+$0x0], $0xffff;
	[tilespmem:s23+$0x180] =	vst v9  }
0xab: {  	[tilespmem:s23+$0xFFFFFE90] =	vst v15;
	v9 =	vld.idx.msk [tilespmem:v14+s13+$0x0], $0xffff;
	v14 =	vadd.s32 s24, v3;
	s24 =	smov.u32 s10  }
0xac: {  	v15 =	vadd.s32 s8, v2;
	[tilespmem:s23+$0xFFFFFE10] =	vst v7;
	v7 =	vadd.s32 s24, v2;
	v8 =	vld.idx.msk [tilespmem:v8+s13+$0x0], $0xffff  }
0xad: {  	v12 =	vld.idx.msk [tilespmem:v12+s13+$0x0], $0xffff;
	[tilespmem:s23+$0xFFFFFF10] =	vst v13  }
0xae: {  	v13 =	vadd.s32 s29, v2;
	v6 =	vld.idx.msk [tilespmem:v10+s13+$0x0], $0xffff;
	[tilespmem:s23+$0xFFFFFF90] =	vst v16  }
0xaf: {  	v10 =	vld.idx.msk [tilespmem:v11+s13+$0x0], $0xffff;
	v11 =	vadd.s32 s28, v2;
	[tilespmem:s25+$0xA0] =	vst v4  }
0xb0: {  	v19 =	vadd.s32 s3, v2;
	[tilespmem:s23+$0x90] =	vst v18;
	v18 =	vld.idx.msk [tilespmem:v14+s13+$0x0], $0xffff  }
0xb1: {  	v20 =	vadd.s32 s0, v3;
	v4 =	vld.idx.msk [tilespmem:v7+s13+$0x0], $0xffff;
	[tilespmem:s23+$0x110] =	vst v9  }
.Ltmp4:
0xb2: {  	v16 =	vadd.s32 s30, v3;
	v9 =	vld.idx.msk [tilespmem:v15+s13+$0x0], $0xffff;
	[tilespmem:s23+$0x190] =	vst v8;
	(pc) =	sbr.rel @p0 .LBB2_9-.Ltmp4, $4  }
0xb3: {  	v15 =	vadd.s32 s2, v3;
	v7 =	vld.idx.msk [tilespmem:v13+s13+$0x0], $0xffff;
	[tilespmem:s23+$0x10] =	vst v17  }
0xb4: {  	v14 =	vadd.s32 s8, v3;
	[tilespmem:s23+$0xFFFFFE20] =	vst v12;
	v8 =	vld.idx.msk [tilespmem:v11+s13+$0x0], $0xffff  }
0xb5: {  	v13 =	vadd.s32 s29, v3;
	[tilespmem:s23+$0xFFFFFFA0] =	vst v10;
	v10 =	vld.idx.msk [tilespmem:v19+s13+$0x0], $0xffff  }
0xb6: {  	v12 =	vadd.s32 s28, v3;
	v11 =	vld.idx.msk [tilespmem:v20+s13+$0x0], $0xffff;
	[tilespmem:s25+$0xB0] =	vst v18;
	s25 =	smov.u32 s23  }
0xb7: {  	_ =	sdelay $0x1  }
0xb8: {  	[tilespmem:s23+$0xFFFFFF20] =	vst v6  }
0xb9: {  	[tilespmem:s23+$0x120] =	vst v9  }
0xba: {  	v59 =	vld.idx.msk [tilespmem:v16+s13+$0x0], $0xffff;
	[tilespmem:s25+$0xA0] =	vst v4  }
0xbb: {  	v61 =	vadd.s32 s24, v3;
	[tilespmem:s23+$0xFFFFFEA0] =	vst v7;
	v60 =	vld.idx.msk [tilespmem:v15+s13+$0x0], $0xffff  }
0xbc: {  	v9 =	vld.idx.msk [tilespmem:v14+s13+$0x0], $0xffff;
	[tilespmem:s23+$0x1A0] =	vst v8  }
0xbd: {  	v62 =	vld.idx.msk [tilespmem:v13+s13+$0x0], $0xffff;
	[tilespmem:s23+$0x20] =	vst v10  }
0xbe: {  	v63 =	vld.idx.msk [tilespmem:v12+s13+$0x0], $0xffff;
	[tilespmem:s23+$0xFFFFFFB0] =	vst v11  }
0xbf: {  	v5 =	vld.idx.msk [tilespmem:v5+s13+$0x0], $0xffff;
	[tilespmem:s23+$0xFFFFFE30] =	vst v59  }
0xc0: {  	s21 =	sadd.s32 $0x1, s21;
	v4 =	vld.idx.msk [tilespmem:v61+s13+$0x0], $0xffff;
	[tilespmem:s23+$0xFFFFFF30] =	vst v60  }
0xc1: {  	p0 =	sne.s32 s21, $0x10;
	[tilespmem:s23+$0x130] =	vst v9  }
.Ltmp5:
0xc2: {  	s0 =	sadd.s32 s5, s22;
	[tilespmem:s23+$0xFFFFFEB0] =	vst v62;
	(pc) =	sbr.rel @p0 .LBB2_2-.Ltmp5, $4  }
0xc3: {  	s0 =	smul.u32 $0xC80, s0;
	[tilespmem:s23+$0x1B0] =	vst v63  }
0xc4: {  	[tilespmem:s25+$0x30] =	vst v5  }
0xc5: {  	s0 =	sadd.s32 s4, s0;
	[tilespmem:s25+$0xB0] =	vst v4  }
0xc6: {  	[hbm4b:s0+s7] =	stream.linear.scatter [tilespmem:s18], [sflag:$0x4], $0x6400, $0x38;
	[tilespmem:$0x19080] =	vst v63  }
0xc7: {  	_ =	swait.ge [sflag:s19], $0x6400  }
0xc8: {  	[sflag:s19] =	ssyncset.done $0x0  }
0xc9: {  	[sflag:s19] =	ssyncadd.s32 $0xFFFF9C00  }
0xca: {  	_ =	swait.ge [sflag:s17], $0x6400  }
0xcb: {  	s20 =	sadd.s32 $0x1, s20;
	s0 =	rddreg [dreg:$0x5]  }
0xcc: {  	p0 =	sne.s32 s20, s0  }
.Ltmp6:
0xcd: {  	_ = 	snop;
	(pc) =	sbr.rel @p0 .LBB2_1-.Ltmp6, $3  }
0xce: {  	_ =	sdelay $0x1  }
0xcf: {  	[sflag:s17] =	ssyncset.done $0x0  }
0xd0: {  	[sflag:s17] =	ssyncadd.s32 $0xFFFF9C00  }
0xd1: {  	_ =	sfence.sel $0x180000  }
0xd2: {  	[bflag:$0x0] =	sbarrier.arrive $0xFFFF  }
0xd3: {  	_ =	strace $0x90000047  }
0xd4: {  	s0 =	stileid.u32;
	[bflag:$0x2] =	sbarrier.arrive $0xFFFF  }
0xd5: {  	p0 =	sne.s32 s0, $0x0;
	s0 =	rddreg [dreg:$0x3]  }
0xd6: {  	s0 =	sadd.s32 @!p0 $0x100000, s0  }
0xd7: {  	[sflag:s0] =	ssyncadd.tile.s32 @!p0 $0x1;
	_ =	shalt  }
.Lfunc_end2:
_tile_overlayer_lowered:
.L_overlay_start_2:
0xd8: {  	(tag) =	ssettag $0x2  }
0xd9: {  	s0 =	rddreg [dreg:$0x0];
	s2 =	stileid.u32  }
0xda: {  	s1 =	rddreg [dreg:$0x1];
	p0 =	sne.s32 s2, $0x0  }
0xdb: {  	s3 =	rddreg [dreg:$0x2];
	[bflag:$0x3] =	sbarrier.arrive $0xFFFF;
	s2 =	simm.s32 @!p0 $0x1C05  }
0xdc: {  	[timem:s3], [sflag:s2] =	dma.local @!p0 [hbm:s0], s1  }
0xdd: {  	s0 =	simm.s32 @!p0 $0x5  }
0xde: {  	_ =	swait.ge @!p0 [sflag:s0], s1  }
0xdf: {  	s1 =	ssub.s32 @!p0 $0x0, s1;
	[sflag:s0] =	ssyncset.done @!p0 $0x0  }
0xe0: {  	[sflag:s0] =	ssyncadd.s32 @!p0 s1  }
0xe1: {  	[bflag:$0x3] =	sbarrier.arrive $0xFFFF  }
0xe2: {  	_ =	shalt  }

// kernel: sparse-core-data-format-call.cloned.1.call-start
scs
called_computation_lowered:
.L_overlay_start_0:
0x0: {  	s2 =	sld [smem:$0x3FD9]  }
0x1: {  	s3 =	sld [smem:$0x3FFE];
	_ =	sdelay $0x1  }
0x2: {  	s1 =	srdreg.scid  }
0x3: {  	s0 =	sand.u32 $0x1, s1  }
0x4: {  	s18 =	sshll.u32 s0, $0xA;
	s2 =	sadd.s32 s3, s2  }
0x5: {  	s2 =	sadd.s32 s2, s18  }
0x6: {  	[smem:$0x3FC6] =	sst s2  }
0x7: {  	_ = 	snop  }
0x8: {  	s2 =	sld [smem:$0x3FD0];
	(tm) =	ssettm $0x1  }
0x9: {  	s19 =	sld [smem:$0x3FFB];
	_ =	sdelay $0x3  }
0xa: {  	_ =	strace s19  }
0xb: {  	s3 =	sld [smem:$0x3FFC];
	_ =	sdelay $0x3  }
0xc: {  	_ =	strace s3  }
0xd: {  	s3 =	sld [smem:$0x3FFD];
	_ =	sdelay $0x3  }
0xe: {  	_ =	strace s3  }
0xf: {  	_ =	strace $0x8FFFFFFF  }
0x10: {  	s20 =	sld [smem:$0x3FDB];
	_ =	sdelay $0x1  }
0x11: {  	s4 =	simm.s32 $_scs_section_size  }
0x12: {  	s5 =	simm.s32 $_size__tile_overlayer_lowered;
	s6 =	simm.s32 $_tile_overlayer_lowered  }
0x13: {  	s23 =	simm.s32 $0x1BFF;
	s22 =	sshll.u32 s6, $0x1;
	s3 =	sadd.s32 s4, s20  }
0x14: {  	s7 =	simm.s32 $0x0;
	s21 =	sshll.u32 s5, $0x1;
	s5 =	sadd.s32 s22, s3  }
0x15: {  	[timem:s7], [sflag:s23] =	dma.local [hbm:s5], s21  }
0x16: {  	_ =	swait.ge [sflag:s23], s21  }
0x17: {  	s4 =	ssub.s32 $0x0, s21;
	[sflag:s23] =	ssyncset.done $0x0  }
0x18: {  	[sflag:s23] =	ssyncadd.s32 s4;
	_ =	sdelay $0x1  }
0x19: {  	s24 =	simm.s32 $0x1B8B  }
0x1a: {  	_ =	swait.ge [sflag:s24], $0x1  }
0x1b: {  	[sflag:s24] =	ssyncset.done $0x0  }
0x1c: {  	s26 =	simm.s32 $0x1B8E;
	s25 =	sld [smem:$0x3FFE];
	[sflag:s24] =	ssyncadd.s32 $0xFFFFFFFF  }
0x1d: {  	s27 =	simm.s32 $execute0_lowered;
	[smem:$0x3FD2] =	sst s26  }
0x1e: {  	s5 =	sshll.u32 s27, $0x1;
	_ =	strace $0x80000049;
	[dreg:$0x1] =	wrdreg $0xFFFFFFFF  }
0x1f: {  	s28 =	simm.s32 $_size_execute0_lowered;
	s3 =	sadd.s32 s3, s5;
	[dreg:$0x0] =	wrdreg $0x0  }
0x20: {  	s5 =	sshll.u32 s28, $0x1;
	[dreg:$0x2] =	wrdreg s3  }
0x21: {  	[dreg:$0x3] =	wrdreg s5  }
0x22: {  	[dreg:$0x4] =	wrdreg $0xC0  }
0x23: {  	_ =	task [dreg:s7], $0x5FFFF  }
0x24: {  	[dreg:$0x1] =	wrdreg $0xFFFFFFFF  }
0x25: {  	[dreg:$0x0] =	wrdreg $0x60  }
0x26: {  	[dreg:$0x2] =	wrdreg s25  }
0x27: {  	[dreg:$0x3] =	wrdreg s2  }
0x28: {  	[dreg:$0x4] =	wrdreg $0x9  }
0x29: {  	_ =	task.clear_ibuf [dreg:s7], $0x5FFFF;
	_ =	strace $0x90000049  }
0x2a: {  	s29 =	simm.s32 $0x9;
	_ =	strace $0x8000004B  }
0x2b: {  	_ =	swait.ge [sflag:s29], $0x1  }
0x2c: {  	[sflag:s29] =	ssyncadd.s32 $0xFFFFFFFF  }
0x2d: {  	_ =	strace $0x9000004B  }
0x2e: {  	_ =	sfence  }
0x2f: {  	s30 =	sld [smem:$0x0];
	_ =	sdelay $0x2  }
0x30: {  	s31 =	sshll.u32 s1, $0xD;
	s1 =	sshrl.u32 s1, $0x2  }
0x31: {  	s3 =	sand.u32 $0x4000, s31;
	s1 =	sadd.s32 s1, s30  }
0x32: {  	s0 =	sor.u32 s3, s0;
	s1 =	sshll.u32 s1, $0x11  }
0x33: {  	s0 =	sor.u32 s1, s0  }
0x34: {  	s0 =	sadd.s32 $0x8F2B, s0  }
0x35: {  	[sflag:s0] =	ssyncadd.remote.s32 $0x1  }
0x36: {  	_ =	sfence.sel $0xFFFF  }
0x37: {  	[dreg:$0x0] =	wrdreg $0xFFFFFFFF;
	(pc) =	sbr.abs _section_cstart, $3  }
0x38: {  	[dreg:$0x1] =	wrdreg $0xFFFFFFFF  }
0x39: {  	_ =	task.clear_ibuf [dreg:s7], $0x2FFFF;
	_ =	strace $0x9FFFFFFF  }
0x3a: {  	(tm) =	ssettm $0x7FFFFFFF  }
0x3b: {  	_ =	shalt  }
tec
execute0_lowered:
.L_overlay_start_1:
0x0: {  	(tag) =	ssettag $0x1  }
0x1: {  	s0 =	srdreg.scid  }
0x2: {  	s1 =	sshll.u32 s0, $0x4  }
0x3: {  	s0 =	stileid.u32;
	s1 =	sand.u32 $0x10, s1  }
0x4: {  	s1 =	sor.u32 s0, s1  }
0x5: {  	s6 =	rddreg [dreg:$0x0];
	s4 =	simm.s32 $0x1;
	s2 =	sshll.u32 s1, $0x7  }
0x6: {  	s7 =	simm.s32 $0x2;
	s12 =	simm.s32 $0x0;
	s1 =	ssub.s32 $0x1000, s2  }
0x7: {  	s8 =	simm.s32 $0x8000;
	s13 =	simm.s32 $0x0;
	s3 =	sand.u32 $0xF80, s1  }
0x8: {  	s9 =	simm.s32 $0x0;
	s5 =	sshrl.u32 s1, $0xC;
	p0 =	sne.s32 s3, $0x0  }
.Ltmp0:
0x9: {  	s1 =	rddreg [dreg:$0x2];
	s4 =	simm.s32 @!p0 $0x0;
	(pc) =	sbr.rel .LBB1_1-.Ltmp0, $4  }
0xa: {  	s11 =	simm.s32 $0x0;
	s3 =	rddreg [dreg:$0x1];
	s5 =	sadd.s32 s4, s5  }
0xb: {  	_ =	strace $0x8000004A;
	s4 =	simm.s32 $0x1;
	s5 =	smul.u32 $0xC8, s5  }
0xc: {  	s6 =	sadd.s32 $0xA00, s6;
	s10 =	smov.u32 s2;
	[sflag:s4] =	ssyncpa.u1 $0x0  }
0xd: {  	p0 =	por $0x0, $0x0;
	[sflag:s7] =	ssyncpa.u1 $0x0;
	s7 =	sor.u32 $0x1, s5  }
.LBB1_4:
0xe: {  	s16 =	sshll.u32 s13, $0x3;
	s17 =	sand.u32 $0x78, s13  }
0xf: {  	s30 =	sand.u32 $0x7E00, s13;
	s12 =	sshll.u32 s12, $0xF;
	s16 =	sand.u32 $0xC00, s16  }
0x10: {  	[tilespmem:s15+$0x810 ss:$0x81] =	vst.msk $0xffff, v2;
	s31 =	sand.u32 $0x7, s13;
	s16 =	sor.u32 s17, s16;
	s17 =	sadd.s32 s3, s30  }
0x11: {  	[tilespmem:s15+$0x1020 ss:$0x81] =	vst.msk $0xffff, v0;
	s13 =	sshll.u32 s31, $0x12;
	s12 =	sadd.s32 s12, s17;
	s16 =	sshrl.u32 s16, $0x3  }
0x12: {  	[tilespmem:s15+$0x0 ss:$0x81] =	vst.msk $0xffff, v1;
	s13 =	sor.u32 $0x400, s13;
	s12 =	sadd.s32 s16, s12  }
0x13: {  	[hbm4b:s12+s13] =	stream.strided.scatter [tilespmem:s14], [sflag:$0x2], $0x2000, s8, s13, $0x20;
	[tilespmem:$0x8080] =	vst v63  }
.LBB1_5:
0x14: {  	s14 =	sadd.s32 $0x1, s9  }
0x15: {  	s12 =	sadd.s32 $0x1000, s10;
	s16 =	smov.u32 s10;
	p2 =	sgt.s32 s14, $0xC7  }
0x16: {  	s16 =	smov.u32 @p2 s12  }
0x17: {  	s14 =	simm.s32 @p2 $0x0;
	p2 =	sgt.s32 s16, $0xFFF  }
0x18: {  	s16 =	smov.u32 @p2 s2;
	p2 =	sne.s32 s11, s7  }
.Ltmp1:
0x19: {  	p1 =	slt.u32 s11, $0x2;
	(pc) =	sbr.rel @!p2 .LBB1_6-.Ltmp1, $4  }
0x1a: {  	s15 =	simm.s32 @!p1 $0x2  }
0x1b: {  	s13 =	smov.u32 s10;
	p0 =	por !p0, !p0;
	_ =	swait.ge @!p1 [sflag:s15], $0x2000  }
0x1c: {  	s12 =	smov.u32 s9;
	[sflag:s15] =	ssyncset.done @!p1 $0x0;
	s9 =	smov.u32 s14  }
0x1d: {  	s11 =	sadd.s32 $0x1, s11;
	[sflag:s15] =	ssyncadd.s32 @!p1 $0xFFFFE000;
	s10 =	smov.u32 s16  }
.LBB1_1:
0x1e: {  	p1 =	sge.u32 s11, s5  }
0x1f: {  	s14 =	sand.u32 @!p1 $0x1FFFFFF, s9  }
0x20: {  	s15 =	smulhi.u32 @!p1 $0x147AE15, s14;
	_ =	sdelay $0x1  }
0x21: {  	s15 =	smul.u32 @!p1 $0xC8, s15  }
0x22: {  	s16 =	sxor.u32 @!p1 $0xFFFFFFFF, s11;
	s17 =	smul.u32 @!p1 $0xC80, s10  }
0x23: {  	s31 =	sadd.s32 $0xFFFFFFFF, s11;
	s16 =	sshll.u32 @!p1 s16, $0xD;
	s14 =	ssub.s32 @!p1 s14, s15  }
0x24: {  	s15 =	sand.u32 @!p1 $0x2000, s16;
	s16 =	sadd.s32 @!p1 s6, s17;
	s14 =	sshll.u32 @!p1 s14, $0x4  }
0x25: {  	s17 =	simm.s32 @!p1 $0x6400;
	s14 =	sadd.s32 @!p1 s14, s16;
	s16 =	simm.s32 @!p1 $0x40  }
0x26: {  	[tilespmem:s15], [sflag:$0x1] =	stream.strided.gather @!p1 [hbm4b:s14+s16], $0x2000, s17, s16, $0x38;
	[tilespmem:$0x8080] =	vst v63  }
0x27: {  	p1 =	sge.u32 s31, s5  }
.Ltmp2:
0x28: {  	_ = 	snop;
	(pc) =	sbr.rel @p1 .LBB1_5-.Ltmp2, $1  }
0x29: {  	_ =	sdelay $0x3  }
0x2a: {  	s14 =	simm.s32 $0x1  }
0x2b: {  	_ =	swait.ge [sflag:s4], $0x2000;
	s14 =	simm.s32 @!p0 $0x0  }
0x2c: {  	[sflag:s4] =	ssyncset.done $0x0;
	s15 =	sshll.u32 s14, $0xD  }
0x2d: {  	[sflag:s4] =	ssyncadd.s32 $0xFFFFE000;
	s18 =	sor.u32 $0x20, s15  }
0x2e: {  	s14 =	smul.u32 $0x8100, s14;
	v3 =	vld [tilespmem:s18+$0x10]  }
0x2f: {  	s30 =	sand.u32 $0x1, s11;
	v2 =	vld [tilespmem:s18+$0xFFFFFFF0]  }
0x30: {  	s15 =	smul.u32 $0x8100, s30;
	s14 =	sshrl.u32 s14, $0x2;
	v0 =	vld [tilespmem:s18+$0x0]  }
0x31: {  	v1 =	vld [tilespmem:s18+$0xFFFFFFE0];
	s16 =	sor.u32 $0x4000, s14  }
0x32: {  	s31 =	sshrl.u32 s15, $0x2;
	s15 =	sadd.s32 $0x0, s16  }
0x33: {  	s17 =	simm.s32 $0x4;
	s18 =	sadd.s32 $0x40, s18;
	s14 =	sor.u32 $0x4000, s31;
	[tilespmem:s15+$0x1830 ss:$0x81] =	vst.msk $0xffff, v3  }
.LBB1_3:
0x34: {  	v3 =	vld [tilespmem:s18+$0x10];
	p1 =	sne.s32 s17, $0x1FC;
	[tilespmem:s15+$0x810 ss:$0x81] =	vst.msk $0xffff, v2;
	s19 =	smov.u32 s17;
	s17 =	sadd.s32 $0x4, s17  }
.Ltmp3:
0x35: {  	v2 =	vld [tilespmem:s18+$0xFFFFFFF0];
	[tilespmem:s15+$0x1020 ss:$0x81] =	vst.msk $0xffff, v0;
	(pc) =	sbr.rel @p1 .LBB1_3-.Ltmp3, $4  }
0x36: {  	v0 =	vld [tilespmem:s18+$0x0];
	[tilespmem:s15+$0x0 ss:$0x81] =	vst.msk $0xffff, v1  }
0x37: {  	s15 =	sshra.s32 s19, $0x2;
	v1 =	vld [tilespmem:s18+$0xFFFFFFE0]  }
0x38: {  	s15 =	sadd.s32 s15, s16  }
0x39: {  	s18 =	sadd.s32 $0x40, s18;
	[tilespmem:s15+$0x1830 ss:$0x81] =	vst.msk $0xffff, v3  }
.Ltmp4:
0x3a: {  	_ = 	snop;
	(pc) =	sbr.rel .LBB1_4-.Ltmp4, $1  }
0x3b: {  	_ =	sdelay $0x3  }
.LBB1_6:
0x3c: {  	_ =	sfence.sel $0x180000  }
0x3d: {  	s2 =	simm.s32 $0x1;
	[bflag:$0x0] =	sbarrier.arrive $0xFFFF  }
0x3e: {  	s31 =	simm.s32 $0x2;
	[sflag:s2] =	ssyncpa.u1 $0x1  }
0x3f: {  	[sflag:s31] =	ssyncpa.u1 $0x1  }
0x40: {  	p0 =	sne.s32 s0, $0x0;
	_ =	strace $0x9000004A  }
0x41: {  	s0 =	sadd.s32 @!p0 $0x100000, s1;
	[bflag:$0x2] =	sbarrier.arrive $0xFFFF  }
0x42: {  	[sflag:s0] =	ssyncadd.tile.s32 @!p0 $0x1;
	_ =	shalt  }
.Lfunc_end1:
_tile_overlayer_lowered:
.L_overlay_start_2:
0x43: {  	(tag) =	ssettag $0x2  }
0x44: {  	s0 =	rddreg [dreg:$0x0];
	s2 =	stileid.u32  }
0x45: {  	s1 =	rddreg [dreg:$0x1];
	p0 =	sne.s32 s2, $0x0  }
0x46: {  	s3 =	rddreg [dreg:$0x2];
	[bflag:$0x3] =	sbarrier.arrive $0xFFFF;
	s2 =	simm.s32 @!p0 $0x1C01  }
0x47: {  	[timem:s3], [sflag:s2] =	dma.local @!p0 [hbm:s0], s1  }
0x48: {  	s0 =	simm.s32 @!p0 $0x1  }
0x49: {  	_ =	swait.ge @!p0 [sflag:s0], s1  }
0x4a: {  	s1 =	ssub.s32 @!p0 $0x0, s1;
	[sflag:s0] =	ssyncset.done @!p0 $0x0  }
0x4b: {  	[sflag:s0] =	ssyncadd.s32 @!p0 s1  }
0x4c: {  	[bflag:$0x3] =	sbarrier.arrive $0xFFFF  }
0x4d: {  	_ =	shalt  }

</sc_bundles>
